<compile_context>
chip_gen: v7x
topology: tpu7x:2x2x1
jax: 0.10.2.dev20260603
libtpu: 0.0.44.dev20260713+nightly
codegen_flags: <defaults>
</compile_context>

<pallas_src>
import functools

import jax
import jax.numpy as jnp
from jax import lax
from jax.experimental import pallas as pl
from jax.experimental.pallas import tpu as pltpu
from jax.experimental.pallas import tpu_sc as plsc

B, T_TEXT, T_MEL, N_MELS = 16, 512, 2048, 80
LANES = 16

_INFO = plsc.get_sparse_core_info()
NC = _INFO.num_cores
NS = _INFO.num_subcores
NW = NC * NS

SC_B = 8
TC_B = B - SC_B
TPB = NW // SC_B

BLK = 8 * 128
BLOCKS_PER_B = T_MEL * N_MELS // BLK
BLOCKS_PER_TILE = BLOCKS_PER_B // TPB
CHUNK_BLOCKS = 5
N_CHUNKS = BLOCKS_PER_TILE // CHUNK_BLOCKS
CHUNK_W = CHUNK_BLOCKS * BLK

OUT_W = 4 * LANES


def _sc_body(mt, mp, mq, vm, out,
             bt, bp, bq, validbuf, outbuf, sem0, sem1, sem2):
    wid = lax.axis_index("s") * NC + lax.axis_index("c")
    beta0 = wid * BLOCKS_PER_TILE
    mel_base = beta0 * BLK
    b_idx = wid // TPB

    sems = (sem0, sem1)

    def start_chunk(c, slot):
        base = mel_base + c * CHUNK_W
        boff = slot * CHUNK_W
        sem = sems[slot]
        pltpu.async_copy(mt.at[pl.ds(base, CHUNK_W)],
                         bt.at[pl.ds(boff, CHUNK_W)], sem)
        pltpu.async_copy(mp.at[pl.ds(base, CHUNK_W)],
                         bp.at[pl.ds(boff, CHUNK_W)], sem)
        pltpu.async_copy(mq.at[pl.ds(base, CHUNK_W)],
                         bq.at[pl.ds(boff, CHUNK_W)], sem)

    def wait_chunk(slot):
        for dst in (bt, bp, bq):
            pltpu.make_async_copy(mt.at[pl.ds(0, CHUNK_W)],
                                  dst.at[pl.ds(0, CHUNK_W)],
                                  sems[slot]).wait()

    start_chunk(0, 0)
    start_chunk(1, 1)

    b1 = b_idx // 8
    b0 = lax.rem(b_idx, 8)
    vrow0 = (b1 * (T_MEL // 128) * 8 + b0) * 128

    def fire_row(t1, _):
        pltpu.async_copy(vm.at[pl.ds(vrow0 + t1 * 1024, 128)],
                         validbuf.at[pl.ds(t1 * 128, 128)], sem2)
        return 0

    lax.fori_loop(0, T_MEL // 128, fire_row, 0)

    def drain_row(t1, _):
        pltpu.make_async_copy(vm.at[pl.ds(0, 128)],
                              validbuf.at[pl.ds(0, 128)], sem2).wait()
        return 0

    lax.fori_loop(0, T_MEL // 128, drain_row, 0)

    zv = jnp.zeros((LANES,), jnp.float32)

    def chunk_sums(c, boff, carry):
        cbeta = beta0 + c * CHUNK_BLOCKS

        def blk_body(r, rc):
            t1 = lax.rem(cbeta + r, T_MEL // 128)
            vbase = t1 * 128
            dbase = boff + r * BLK

            def one_group(jo, jc):
                accp, accq = jc
                wvec = validbuf[pl.ds(vbase + jo, LANES)]
                sp = None
                sq = None
                for m0 in range(8):
                    o = dbase + m0 * 128 + jo
                    t = bt[pl.ds(o, LANES)]
                    p = bp[pl.ds(o, LANES)]
                    q = bq[pl.ds(o, LANES)]
                    a = jnp.abs(p - t)
                    b = jnp.abs(q - t)
                    sp = a if sp is None else sp + a
                    sq = b if sq is None else sq + b
                return accp + wvec * sp, accq + wvec * sq

            def j_body(j, jc):
                jo = j * (4 * LANES)
                for u in range(4):
                    jc = one_group(jo + u * LANES, jc)
                return jc

            return lax.fori_loop(0, 2, j_body, rc)

        return lax.fori_loop(0, CHUNK_BLOCKS, blk_body, carry)

    def chunk_body(c, carry):
        par = lax.rem(c, 2)

        @pl.when(par == 0)
        def _():
            wait_chunk(0)

        @pl.when(par == 1)
        def _():
            wait_chunk(1)

        carry = chunk_sums(c, par * CHUNK_W, carry)

        @pl.when(c < N_CHUNKS - 2)
        def _():
            @pl.when(par == 0)
            def _():
                start_chunk(c + 2, 0)

            @pl.when(par == 1)
            def _():
                start_chunk(c + 2, 1)

        return carry

    accp, accq = lax.fori_loop(0, N_CHUNKS, chunk_body, (zv, zv))

    vals = (accp, accq, zv, zv)
    for k, v in enumerate(vals):
        outbuf[pl.ds(k * LANES, LANES)] = v
    pltpu.sync_copy(outbuf, out.at[pl.ds(wid * OUT_W, OUT_W)])


_sc_partials = functools.partial(
    pl.kernel,
    mesh=plsc.VectorSubcoreMesh(core_axis_name="c", subcore_axis_name="s"),
    out_type=jax.ShapeDtypeStruct((NW * OUT_W,), jnp.float32),
    scratch_types=[
        pltpu.VMEM((2 * CHUNK_W,), jnp.float32),
        pltpu.VMEM((2 * CHUNK_W,), jnp.float32),
        pltpu.VMEM((2 * CHUNK_W,), jnp.float32),
        pltpu.VMEM((T_MEL,), jnp.float32),
        pltpu.VMEM((OUT_W,), jnp.float32),
        pltpu.SemaphoreType.DMA,
        pltpu.SemaphoreType.DMA,
        pltpu.SemaphoreType.DMA,
    ],
)(_sc_body)


def _tc_mel_body(tref, pref, qref, wref, outp_ref, outq_ref):
    t = tref[0]
    p = pref[0]
    q = qref[0]
    w = jnp.where(wref[0], 0.0, 1.0)
    sp = jnp.sum(jnp.abs(p - t), axis=0, keepdims=True)
    sq = jnp.sum(jnp.abs(q - t), axis=0, keepdims=True)
    outp_ref[0] = sp * w
    outq_ref[0] = sq * w


def _tc_mel(mel_t, mel_p, mel_q, mask3d):
    mel_spec = pl.BlockSpec((1, N_MELS, T_MEL), lambda g: (g + SC_B, 0, 0))
    w_spec = pl.BlockSpec((1, 1, T_MEL), lambda g: (g + SC_B, 0, 0))
    row = jax.ShapeDtypeStruct((TC_B, 1, T_MEL), jnp.float32)
    outs = pl.pallas_call(
        _tc_mel_body,
        grid=(TC_B,),
        in_specs=[mel_spec, mel_spec, mel_spec, w_spec],
        out_specs=(pl.BlockSpec((1, 1, T_MEL), lambda g: (g, 0, 0)),) * 2,
        out_shape=(row, row),
    )(mel_t, mel_p, mel_q, mask3d)
    return outs


def _reduce_body(pref, tcp_ref, tcq_ref, dt_ref, dp_ref, pt_ref, pp_ref,
                 et_ref, ep_ref, vmask_ref, mmask_ref,
                 dur_ref, pit_ref, ene_ref, mel_ref, post_ref):
    x = pref[...]
    s = jnp.sum(x, axis=0)

    def seg(k):
        return (jnp.sum(s[k * LANES:(k + 1) * LANES])
                + jnp.sum(s[OUT_W + k * LANES:OUT_W + (k + 1) * LANES]))

    w = jnp.where(vmask_ref[...], 0.0, 1.0)
    cnt_var = jnp.sum(w)
    d0 = dp_ref[...] - dt_ref[...]
    d1 = pp_ref[...] - pt_ref[...]
    d2 = ep_ref[...] - et_ref[...]
    dur_ref[0, 0] = jnp.sum(w * d0 * d0) / cnt_var
    pit_ref[0, 0] = jnp.sum(w * d1 * d1) / cnt_var
    ene_ref[0, 0] = jnp.sum(w * d2 * d2) / cnt_var

    wm = jnp.where(mmask_ref[...], 0.0, 1.0)
    cnt_mel = jnp.sum(wm) * jnp.float32(N_MELS)
    mel_ref[0, 0] = (seg(0) + jnp.sum(tcp_ref[...])) / cnt_mel
    post_ref[0, 0] = (seg(1) + jnp.sum(tcq_ref[...])) / cnt_mel


def _mel_flat(x):
    y = x.transpose(0, 2, 1)
    y = y.reshape(B, N_MELS // 8, 8, T_MEL // 128, 128)
    y = y.transpose(0, 1, 3, 2, 4)
    return y.reshape(-1)


def _rowmajor_flat(x, rows, cols):
    y = x.reshape(rows // 8, 8, cols // 128, 128)
    return y.transpose(0, 2, 1, 3).reshape(-1)


def kernel(duration_target, duration_prediction, pitch_target,
           pitch_prediction, energy_target, energy_prediction,
           variance_mask, mel_target, mel_prediction,
           postnet_mel_prediction, mel_mask):
    mt = _mel_flat(mel_target)
    mp = _mel_flat(mel_prediction)
    mq = _mel_flat(postnet_mel_prediction)
    vm = _rowmajor_flat(
        jnp.logical_not(mel_mask).astype(jnp.float32).reshape(B, T_MEL),
        B, T_MEL)

    partials = _sc_partials(mt, mp, mq, vm)

    mask3d = mel_mask.reshape(B, 1, T_MEL)
    tcp, tcq = _tc_mel(mel_target.transpose(0, 2, 1),
                       mel_prediction.transpose(0, 2, 1),
                       postnet_mel_prediction.transpose(0, 2, 1), mask3d)

    scalar = jax.ShapeDtypeStruct((1, 1), jnp.float32)
    outs = pl.pallas_call(
        _reduce_body,
        out_shape=(scalar,) * 5,
        out_specs=(pl.BlockSpec(memory_space=pltpu.SMEM),) * 5,
    )(partials.reshape(NW // 2, 2 * OUT_W), tcp, tcq,
      duration_target, duration_prediction, pitch_target, pitch_prediction,
      energy_target, energy_prediction, variance_mask, mask3d)
    return tuple(o.reshape(()) for o in outs)

# --- scband reference (transcript-rebuilt; emitter-appended) ---
"""Pipeline reference for scband-fast-speech2-loss-12807592477227 (READ-ONLY COPY).

The authoritative reference and input builder live on the scoring server;
editing this copy changes nothing except your own understanding.
"""

import jax, jax.numpy as jnp
import numpy as np


def _masked_mse(p, t, mask):
    valid = jnp.broadcast_to(~mask, p.shape)
    cnt = jnp.sum(valid).astype(jnp.float32)
    diff = jnp.where(valid, p.astype(jnp.float32) - t.astype(jnp.float32), 0.0)
    return jnp.sum(diff * diff) / cnt


def _masked_l1(p, t, mask):
    valid = jnp.broadcast_to(~mask, p.shape)
    cnt = jnp.sum(valid).astype(jnp.float32)
    diff = jnp.where(valid, jnp.abs(p.astype(jnp.float32) - t.astype(jnp.float32)), 0.0)
    return jnp.sum(diff) / cnt


def setup_inputs(seed: int = 0) -> dict:
    key = jax.random.key(seed)
    ks = jax.random.split(key, 12)
    B, T_text, T_mel, n_mels = 16, 512, 2048, 80
    inp = {
        'duration_target': jax.random.normal(ks[0], (B, T_text), dtype=jnp.float32),
        'duration_prediction': jax.random.normal(ks[1], (B, T_text), dtype=jnp.float32),
        'pitch_target': jax.random.normal(ks[2], (B, T_text), dtype=jnp.float32),
        'pitch_prediction': jax.random.normal(ks[3], (B, T_text), dtype=jnp.float32),
        'energy_target': jax.random.normal(ks[4], (B, T_text), dtype=jnp.float32),
        'energy_prediction': jax.random.normal(ks[5], (B, T_text), dtype=jnp.float32),
        'variance_mask': jax.random.randint(ks[6], (B, T_text), 0, 2).astype(jnp.bool_),
        'mel_target': jax.random.normal(ks[7], (B, T_mel, n_mels), dtype=jnp.float32),
        'mel_prediction': jax.random.normal(ks[8], (B, T_mel, n_mels), dtype=jnp.float32),
        'postnet_mel_prediction': jax.random.normal(ks[9], (B, T_mel, n_mels), dtype=jnp.float32),
        'mel_mask': jax.random.randint(ks[10], (B, T_mel, 1), 0, 2).astype(jnp.bool_),
    }
    return inp


def reference(duration_target, duration_prediction, pitch_target, pitch_prediction,
              energy_target, energy_prediction, variance_mask, mel_target,
              mel_prediction, postnet_mel_prediction, mel_mask):
    dur_loss = _masked_mse(duration_prediction, duration_target, variance_mask)
    pitch_loss = _masked_mse(pitch_prediction, pitch_target, variance_mask)
    energy_loss = _masked_mse(energy_prediction, energy_target, variance_mask)
    mel_loss = _masked_l1(mel_prediction, mel_target, mel_mask)
    postnet_loss = _masked_l1(postnet_mel_prediction, mel_target, mel_mask)
    return (dur_loss, pitch_loss, energy_loss, mel_loss, postnet_loss)

if __name__ == "__main__":
    import jax
    _d = setup_inputs()
    print(jax.jit(kernel)(*tuple(_d.values())))

</pallas_src>

<mosaic_0001>
#map = affine_map<(d0, d1) -> (0)>
module attributes {stable_mosaic.version = 14 : i64} {
  func.func @_sc_body(%arg0: i32, %arg1: i32, %arg2: memref<2621440xf32, #tpu.memory_space<hbm>>, %arg3: memref<2621440xf32, #tpu.memory_space<hbm>>, %arg4: memref<2621440xf32, #tpu.memory_space<hbm>>, %arg5: memref<32768xf32, #tpu.memory_space<hbm>>, %arg6: memref<2048xf32, #tpu.memory_space<hbm>>, %arg7: memref<10240xf32, #tpu.memory_space<vmem>>, %arg8: memref<10240xf32, #tpu.memory_space<vmem>>, %arg9: memref<10240xf32, #tpu.memory_space<vmem>>, %arg10: memref<2048xf32, #tpu.memory_space<vmem>>, %arg11: memref<64xf32, #tpu.memory_space<vmem>>, %arg12: memref<!tpu.dma_semaphore, #tpu.memory_space<semaphore_mem>>, %arg13: memref<!tpu.dma_semaphore, #tpu.memory_space<semaphore_mem>>, %arg14: memref<!tpu.dma_semaphore, #tpu.memory_space<semaphore_mem>>) attributes {dimension_semantics = [#tpu.dimension_semantics<core_parallel>, #tpu.dimension_semantics<subcore_parallel>], iteration_bounds = array<i64: 2, 16>, scalar_prefetch = 0 : i64, scratch_operands = 8 : i64, tpu.core_type = #tpu.core_type<sc_vector_subcore>, window_params = [{transform_indices = #map}, {transform_indices = #map}, {transform_indices = #map}, {transform_indices = #map}, {transform_indices = #map}]} {
    %mul3A = arith.constant 2 : i32
    %mul3A_0 = arith.muli %arg1, %mul3A : i32
    %add3A = arith.addi %mul3A_0, %arg0 : i32
    %mul3A_1 = arith.constant 40 : i32
    %mul3A_2 = arith.muli %add3A, %mul3A_1 : i32
    %mul3A_3 = arith.constant 1024 : i32
    %mul3A_4 = arith.muli %mul3A_2, %mul3A_3 : i32
    %jit3A = arith.constant 4 : i32
    %div3A = arith.divsi %add3A, %jit3A : i32
    %sign3A = arith.constant 0 : i32
    %sign3A_5 = arith.cmpi sgt, %add3A, %sign3A : i32
    %sign3A_6 = arith.extui %sign3A_5 : i1 to i32
    %sign3A_7 = arith.constant 0 : i32
    %sign3A_8 = arith.cmpi slt, %add3A, %sign3A_7 : i32
    %sign3A_9 = arith.extui %sign3A_8 : i1 to i32
    %sign3A_10 = arith.subi %sign3A_6, %sign3A_9 : i32
    %sign3A_11 = arith.constant 0 : i32
    %sign3A_12 = arith.cmpi sgt, %jit3A, %sign3A_11 : i32
    %sign3A_13 = arith.extui %sign3A_12 : i1 to i32
    %sign3A_14 = arith.constant 0 : i32
    %sign3A_15 = arith.cmpi slt, %jit3A, %sign3A_14 : i32
    %sign3A_16 = arith.extui %sign3A_15 : i1 to i32
    %sign3A_17 = arith.subi %sign3A_13, %sign3A_16 : i32
    %ne3A = arith.cmpi ne, %sign3A_10, %sign3A_17 : i32
    %rem3A = arith.remsi %add3A, %jit3A : i32
    %ne3A_18 = arith.constant 0 : i32
    %ne3A_19 = arith.cmpi ne, %rem3A, %ne3A_18 : i32
    %and3A = arith.andi %ne3A, %ne3A_19 : i1
    %sub3A = arith.constant 1 : i32
    %sub3A_20 = arith.subi %div3A, %sub3A : i32
    %select_n3A = arith.select %and3A, %sub3A_20, %div3A : i32
    %add3A_21 = arith.constant 0 : i32
    %add3A_22 = arith.addi %mul3A_4, %add3A_21 : i32
    %dma_start3A = arith.constant 0 : i32
    %dma_start3A_23 = tpu.memref_slice %arg7[%dma_start3A] : memref<10240xf32, #tpu.memory_space<vmem>> -> memref<5120xf32, #tpu.memory_space<vmem>>
    %dma_start3A_24 = tpu.memref_slice %arg2[%add3A_22] : memref<2621440xf32, #tpu.memory_space<hbm>> -> memref<5120xf32, #tpu.memory_space<hbm>>
    %dma_start3A_25 = arith.constant 0 : i32
    %dma_start3A_26 = tpu.memref_slice %arg7[%dma_start3A_25] : memref<10240xf32, #tpu.memory_space<vmem>> -> memref<5120xf32, #tpu.memory_space<vmem>>
    %dma_start3A_27 = tpu.memref_slice %arg2[%add3A_22] : memref<2621440xf32, #tpu.memory_space<hbm>> -> memref<5120xf32, #tpu.memory_space<hbm>>
    tpu.enqueue_dma source(%dma_start3A_27 : memref<5120xf32, #tpu.memory_space<hbm>>) target(%dma_start3A_26 : memref<5120xf32, #tpu.memory_space<vmem>>) target_semaphore(%arg12 : memref<!tpu.dma_semaphore, #tpu.memory_space<semaphore_mem>>)
    %dma_start3A_28 = arith.constant 0 : i32
    %dma_start3A_29 = tpu.memref_slice %arg8[%dma_start3A_28] : memref<10240xf32, #tpu.memory_space<vmem>> -> memref<5120xf32, #tpu.memory_space<vmem>>
    %dma_start3A_30 = tpu.memref_slice %arg3[%add3A_22] : memref<2621440xf32, #tpu.memory_space<hbm>> -> memref<5120xf32, #tpu.memory_space<hbm>>
    %dma_start3A_31 = arith.constant 0 : i32
    %dma_start3A_32 = tpu.memref_slice %arg8[%dma_start3A_31] : memref<10240xf32, #tpu.memory_space<vmem>> -> memref<5120xf32, #tpu.memory_space<vmem>>
    %dma_start3A_33 = tpu.memref_slice %arg3[%add3A_22] : memref<2621440xf32, #tpu.memory_space<hbm>> -> memref<5120xf32, #tpu.memory_space<hbm>>
    tpu.enqueue_dma source(%dma_start3A_33 : memref<5120xf32, #tpu.memory_space<hbm>>) target(%dma_start3A_32 : memref<5120xf32, #tpu.memory_space<vmem>>) target_semaphore(%arg12 : memref<!tpu.dma_semaphore, #tpu.memory_space<semaphore_mem>>)
    %dma_start3A_34 = arith.constant 0 : i32
    %dma_start3A_35 = tpu.memref_slice %arg9[%dma_start3A_34] : memref<10240xf32, #tpu.memory_space<vmem>> -> memref<5120xf32, #tpu.memory_space<vmem>>
    %dma_start3A_36 = tpu.memref_slice %arg4[%add3A_22] : memref<2621440xf32, #tpu.memory_space<hbm>> -> memref<5120xf32, #tpu.memory_space<hbm>>
    %dma_start3A_37 = arith.constant 0 : i32
    %dma_start3A_38 = tpu.memref_slice %arg9[%dma_start3A_37] : memref<10240xf32, #tpu.memory_space<vmem>> -> memref<5120xf32, #tpu.memory_space<vmem>>
    %dma_start3A_39 = tpu.memref_slice %arg4[%add3A_22] : memref<2621440xf32, #tpu.memory_space<hbm>> -> memref<5120xf32, #tpu.memory_space<hbm>>
    tpu.enqueue_dma source(%dma_start3A_39 : memref<5120xf32, #tpu.memory_space<hbm>>) target(%dma_start3A_38 : memref<5120xf32, #tpu.memory_space<vmem>>) target_semaphore(%arg12 : memref<!tpu.dma_semaphore, #tpu.memory_space<semaphore_mem>>)
    %add3A_40 = arith.constant 5120 : i32
    %add3A_41 = arith.addi %mul3A_4, %add3A_40 : i32
    %dma_start3A_42 = arith.constant 5120 : i32
    %dma_start3A_43 = tpu.memref_slice %arg7[%dma_start3A_42] : memref<10240xf32, #tpu.memory_space<vmem>> -> memref<5120xf32, #tpu.memory_space<vmem>>
    %dma_start3A_44 = tpu.memref_slice %arg2[%add3A_41] : memref<2621440xf32, #tpu.memory_space<hbm>> -> memref<5120xf32, #tpu.memory_space<hbm>>
    %dma_start3A_45 = arith.constant 5120 : i32
    %dma_start3A_46 = tpu.memref_slice %arg7[%dma_start3A_45] : memref<10240xf32, #tpu.memory_space<vmem>> -> memref<5120xf32, #tpu.memory_space<vmem>>
    %dma_start3A_47 = tpu.memref_slice %arg2[%add3A_41] : memref<2621440xf32, #tpu.memory_space<hbm>> -> memref<5120xf32, #tpu.memory_space<hbm>>
    tpu.enqueue_dma source(%dma_start3A_47 : memref<5120xf32, #tpu.memory_space<hbm>>) target(%dma_start3A_46 : memref<5120xf32, #tpu.memory_space<vmem>>) target_semaphore(%arg13 : memref<!tpu.dma_semaphore, #tpu.memory_space<semaphore_mem>>)
    %dma_start3A_48 = arith.constant 5120 : i32
    %dma_start3A_49 = tpu.memref_slice %arg8[%dma_start3A_48] : memref<10240xf32, #tpu.memory_space<vmem>> -> memref<5120xf32, #tpu.memory_space<vmem>>
    %dma_start3A_50 = tpu.memref_slice %arg3[%add3A_41] : memref<2621440xf32, #tpu.memory_space<hbm>> -> memref<5120xf32, #tpu.memory_space<hbm>>
    %dma_start3A_51 = arith.constant 5120 : i32
    %dma_start3A_52 = tpu.memref_slice %arg8[%dma_start3A_51] : memref<10240xf32, #tpu.memory_space<vmem>> -> memref<5120xf32, #tpu.memory_space<vmem>>
    %dma_start3A_53 = tpu.memref_slice %arg3[%add3A_41] : memref<2621440xf32, #tpu.memory_space<hbm>> -> memref<5120xf32, #tpu.memory_space<hbm>>
    tpu.enqueue_dma source(%dma_start3A_53 : memref<5120xf32, #tpu.memory_space<hbm>>) target(%dma_start3A_52 : memref<5120xf32, #tpu.memory_space<vmem>>) target_semaphore(%arg13 : memref<!tpu.dma_semaphore, #tpu.memory_space<semaphore_mem>>)
    %dma_start3A_54 = arith.constant 5120 : i32
    %dma_start3A_55 = tpu.memref_slice %arg9[%dma_start3A_54] : memref<10240xf32, #tpu.memory_space<vmem>> -> memref<5120xf32, #tpu.memory_space<vmem>>
    %dma_start3A_56 = tpu.memref_slice %arg4[%add3A_41] : memref<2621440xf32, #tpu.memory_space<hbm>> -> memref<5120xf32, #tpu.memory_space<hbm>>
    %dma_start3A_57 = arith.constant 5120 : i32
    %dma_start3A_58 = tpu.memref_slice %arg9[%dma_start3A_57] : memref<10240xf32, #tpu.memory_space<vmem>> -> memref<5120xf32, #tpu.memory_space<vmem>>
    %dma_start3A_59 = tpu.memref_slice %arg4[%add3A_41] : memref<2621440xf32, #tpu.memory_space<hbm>> -> memref<5120xf32, #tpu.memory_space<hbm>>
    tpu.enqueue_dma source(%dma_start3A_59 : memref<5120xf32, #tpu.memory_space<hbm>>) target(%dma_start3A_58 : memref<5120xf32, #tpu.memory_space<vmem>>) target_semaphore(%arg13 : memref<!tpu.dma_semaphore, #tpu.memory_space<semaphore_mem>>)
    %jit3A_60 = arith.constant 8 : i32
    %div3A_61 = arith.divsi %select_n3A, %jit3A_60 : i32
    %sign3A_62 = arith.constant 0 : i32
    %sign3A_63 = arith.cmpi sgt, %select_n3A, %sign3A_62 : i32
    %sign3A_64 = arith.extui %sign3A_63 : i1 to i32
    %sign3A_65 = arith.constant 0 : i32
    %sign3A_66 = arith.cmpi slt, %select_n3A, %sign3A_65 : i32
    %sign3A_67 = arith.extui %sign3A_66 : i1 to i32
    %sign3A_68 = arith.subi %sign3A_64, %sign3A_67 : i32
    %sign3A_69 = arith.constant 0 : i32
    %sign3A_70 = arith.cmpi sgt, %jit3A_60, %sign3A_69 : i32
    %sign3A_71 = arith.extui %sign3A_70 : i1 to i32
    %sign3A_72 = arith.constant 0 : i32
    %sign3A_73 = arith.cmpi slt, %jit3A_60, %sign3A_72 : i32
    %sign3A_74 = arith.extui %sign3A_73 : i1 to i32
    %sign3A_75 = arith.subi %sign3A_71, %sign3A_74 : i32
    %ne3A_76 = arith.cmpi ne, %sign3A_68, %sign3A_75 : i32
    %rem3A_77 = arith.remsi %select_n3A, %jit3A_60 : i32
    %ne3A_78 = arith.constant 0 : i32
    %ne3A_79 = arith.cmpi ne, %rem3A_77, %ne3A_78 : i32
    %and3A_80 = arith.andi %ne3A_76, %ne3A_79 : i1
    %sub3A_81 = arith.constant 1 : i32
    %sub3A_82 = arith.subi %div3A_61, %sub3A_81 : i32
    %select_n3A_83 = arith.select %and3A_80, %sub3A_82, %div3A_61 : i32
    %rem3A_84 = arith.constant 8 : i32
    %rem3A_85 = arith.remsi %select_n3A, %rem3A_84 : i32
    %mul3A_86 = arith.constant 16 : i32
    %mul3A_87 = arith.muli %select_n3A_83, %mul3A_86 : i32
    %mul3A_88 = arith.constant 8 : i32
    %mul3A_89 = arith.muli %mul3A_87, %mul3A_88 : i32
    %add3A_90 = arith.addi %mul3A_89, %rem3A_85 : i32
    %mul3A_91 = arith.constant 128 : i32
    %mul3A_92 = arith.muli %add3A_90, %mul3A_91 : i32
    %scan3A = arith.constant 0 : i32
    %scan3A_93 = arith.constant 0 : i32
    %scan3A_94 = arith.constant 16 : i32
    %scan3A_95 = arith.addi %scan3A_93, %scan3A_94 : i32
    %scan3A_96 = arith.constant 1 : i32
    %scan3A_97 = scf.for %scan3A_130 = %scan3A_93 to %scan3A_95 step %scan3A_96 iter_args(%scan3A_131 = %scan3A) -> (i32)  : i32 {
      %mul3A_132 = arith.constant 1024 : i32
      %mul3A_133 = arith.muli %scan3A_130, %mul3A_132 : i32
      %add3A_134 = arith.addi %mul3A_92, %mul3A_133 : i32
      %mul3A_135 = arith.constant 128 : i32
      %mul3A_136 = arith.muli %scan3A_130, %mul3A_135 : i32
      %dma_start3A_137 = tpu.memref_slice %arg10[%mul3A_136] : memref<2048xf32, #tpu.memory_space<vmem>> -> memref<128xf32, #tpu.memory_space<vmem>>
      %dma_start3A_138 = tpu.memref_slice %arg5[%add3A_134] : memref<32768xf32, #tpu.memory_space<hbm>> -> memref<128xf32, #tpu.memory_space<hbm>>
      %dma_start3A_139 = tpu.memref_slice %arg10[%mul3A_136] : memref<2048xf32, #tpu.memory_space<vmem>> -> memref<128xf32, #tpu.memory_space<vmem>>
      %dma_start3A_140 = tpu.memref_slice %arg5[%add3A_134] : memref<32768xf32, #tpu.memory_space<hbm>> -> memref<128xf32, #tpu.memory_space<hbm>>
      tpu.enqueue_dma source(%dma_start3A_140 : memref<128xf32, #tpu.memory_space<hbm>>) target(%dma_start3A_139 : memref<128xf32, #tpu.memory_space<vmem>>) target_semaphore(%arg14 : memref<!tpu.dma_semaphore, #tpu.memory_space<semaphore_mem>>)
      %scan3A_141 = arith.constant 0 : i32
      scf.yield %scan3A_141 : i32
    }
    %scan3A_98 = arith.constant 16 : i32
    %scan3A_99 = arith.constant 0 : i32
    %scan3A_100 = arith.constant 0 : i32
    %scan3A_101 = arith.constant 16 : i32
    %scan3A_102 = arith.addi %scan3A_100, %scan3A_101 : i32
    %scan3A_103 = arith.constant 1 : i32
    %scan3A_104 = scf.for %scan3A_130 = %scan3A_100 to %scan3A_102 step %scan3A_103 iter_args(%scan3A_131 = %scan3A_99) -> (i32)  : i32 {
      %dma_wait3A = arith.constant 0 : i32
      %dma_wait3A_132 = tpu.memref_slice %arg10[%dma_wait3A] : memref<2048xf32, #tpu.memory_space<vmem>> -> memref<128xf32, #tpu.memory_space<vmem>>
      %dma_wait3A_133 = arith.constant 0 : i32
      %dma_wait3A_134 = tpu.memref_slice %arg5[%dma_wait3A_133] : memref<32768xf32, #tpu.memory_space<hbm>> -> memref<128xf32, #tpu.memory_space<hbm>>
      %dma_wait3A_135 = arith.constant 0 : i32
      %dma_wait3A_136 = tpu.memref_slice %arg10[%dma_wait3A_135] : memref<2048xf32, #tpu.memory_space<vmem>> -> memref<128xf32, #tpu.memory_space<vmem>>
      %dma_wait3A_137 = arith.constant 0 : i32
      %dma_wait3A_138 = tpu.memref_slice %arg5[%dma_wait3A_137] : memref<32768xf32, #tpu.memory_space<hbm>> -> memref<128xf32, #tpu.memory_space<hbm>>
      tpu.wait_dma2 semaphore(%arg14 : memref<!tpu.dma_semaphore, #tpu.memory_space<semaphore_mem>>) src(%dma_wait3A_138 : memref<128xf32, #tpu.memory_space<hbm>>) dst(%dma_wait3A_136 : memref<128xf32, #tpu.memory_space<vmem>>)
      %scan3A_139 = arith.constant 0 : i32
      scf.yield %scan3A_139 : i32
    }
    %scan3A_105 = arith.constant 16 : i32
    %broadcast_in_dim3A = arith.constant 0.000000e+00 : f32
    %broadcast_in_dim3A_106 = vector.broadcast %broadcast_in_dim3A : f32 to vector<16xf32>
    %scan3A_107 = arith.constant 0 : i32
    %scan3A_108 = arith.constant 8 : i32
    %scan3A_109 = arith.addi %scan3A_107, %scan3A_108 : i32
    %scan3A_110 = arith.constant 1 : i32
    %scan3A_111:2 = scf.for %scan3A_130 = %scan3A_107 to %scan3A_109 step %scan3A_110 iter_args(%scan3A_131 = %broadcast_in_dim3A_106, %scan3A_132 = %broadcast_in_dim3A_106) -> (vector<16xf32>, vector<16xf32>)  : i32 {
      %rem3A_133 = arith.constant 2 : i32
      %rem3A_134 = arith.remsi %scan3A_130, %rem3A_133 : i32
      %eq3A = arith.constant 0 : i32
      %eq3A_135 = arith.cmpi eq, %rem3A_134, %eq3A : i32
      %convert_element_type3A = arith.extui %eq3A_135 : i1 to i32
      %cond3A = arith.constant 0 : i32
      %cond3A_136 = arith.cmpi ne, %convert_element_type3A, %cond3A : i32
      scf.if %cond3A_136 {
        %dma_wait3A = arith.constant 0 : i32
        %dma_wait3A_157 = tpu.memref_slice %arg7[%dma_wait3A] : memref<10240xf32, #tpu.memory_space<vmem>> -> memref<5120xf32, #tpu.memory_space<vmem>>
        %dma_wait3A_158 = arith.constant 0 : i32
        %dma_wait3A_159 = tpu.memref_slice %arg2[%dma_wait3A_158] : memref<2621440xf32, #tpu.memory_space<hbm>> -> memref<5120xf32, #tpu.memory_space<hbm>>
        %dma_wait3A_160 = arith.constant 0 : i32
        %dma_wait3A_161 = tpu.memref_slice %arg7[%dma_wait3A_160] : memref<10240xf32, #tpu.memory_space<vmem>> -> memref<5120xf32, #tpu.memory_space<vmem>>
        %dma_wait3A_162 = arith.constant 0 : i32
        %dma_wait3A_163 = tpu.memref_slice %arg2[%dma_wait3A_162] : memref<2621440xf32, #tpu.memory_space<hbm>> -> memref<5120xf32, #tpu.memory_space<hbm>>
        tpu.wait_dma2 semaphore(%arg12 : memref<!tpu.dma_semaphore, #tpu.memory_space<semaphore_mem>>) src(%dma_wait3A_163 : memref<5120xf32, #tpu.memory_space<hbm>>) dst(%dma_wait3A_161 : memref<5120xf32, #tpu.memory_space<vmem>>)
        %dma_wait3A_164 = arith.constant 0 : i32
        %dma_wait3A_165 = tpu.memref_slice %arg8[%dma_wait3A_164] : memref<10240xf32, #tpu.memory_space<vmem>> -> memref<5120xf32, #tpu.memory_space<vmem>>
        %dma_wait3A_166 = arith.constant 0 : i32
        %dma_wait3A_167 = tpu.memref_slice %arg2[%dma_wait3A_166] : memref<2621440xf32, #tpu.memory_space<hbm>> -> memref<5120xf32, #tpu.memory_space<hbm>>
        %dma_wait3A_168 = arith.constant 0 : i32
        %dma_wait3A_169 = tpu.memref_slice %arg8[%dma_wait3A_168] : memref<10240xf32, #tpu.memory_space<vmem>> -> memref<5120xf32, #tpu.memory_space<vmem>>
        %dma_wait3A_170 = arith.constant 0 : i32
        %dma_wait3A_171 = tpu.memref_slice %arg2[%dma_wait3A_170] : memref<2621440xf32, #tpu.memory_space<hbm>> -> memref<5120xf32, #tpu.memory_space<hbm>>
        tpu.wait_dma2 semaphore(%arg12 : memref<!tpu.dma_semaphore, #tpu.memory_space<semaphore_mem>>) src(%dma_wait3A_171 : memref<5120xf32, #tpu.memory_space<hbm>>) dst(%dma_wait3A_169 : memref<5120xf32, #tpu.memory_space<vmem>>)
        %dma_wait3A_172 = arith.constant 0 : i32
        %dma_wait3A_173 = tpu.memref_slice %arg9[%dma_wait3A_172] : memref<10240xf32, #tpu.memory_space<vmem>> -> memref<5120xf32, #tpu.memory_space<vmem>>
        %dma_wait3A_174 = arith.constant 0 : i32
        %dma_wait3A_175 = tpu.memref_slice %arg2[%dma_wait3A_174] : memref<2621440xf32, #tpu.memory_space<hbm>> -> memref<5120xf32, #tpu.memory_space<hbm>>
        %dma_wait3A_176 = arith.constant 0 : i32
        %dma_wait3A_177 = tpu.memref_slice %arg9[%dma_wait3A_176] : memref<10240xf32, #tpu.memory_space<vmem>> -> memref<5120xf32, #tpu.memory_space<vmem>>
        %dma_wait3A_178 = arith.constant 0 : i32
        %dma_wait3A_179 = tpu.memref_slice %arg2[%dma_wait3A_178] : memref<2621440xf32, #tpu.memory_space<hbm>> -> memref<5120xf32, #tpu.memory_space<hbm>>
        tpu.wait_dma2 semaphore(%arg12 : memref<!tpu.dma_semaphore, #tpu.memory_space<semaphore_mem>>) src(%dma_wait3A_179 : memref<5120xf32, #tpu.memory_space<hbm>>) dst(%dma_wait3A_177 : memref<5120xf32, #tpu.memory_space<vmem>>)
      } else {
      }
      %eq3A_137 = arith.constant 1 : i32
      %eq3A_138 = arith.cmpi eq, %rem3A_134, %eq3A_137 : i32
      %convert_element_type3A_139 = arith.extui %eq3A_138 : i1 to i32
      %cond3A_140 = arith.constant 0 : i32
      %cond3A_141 = arith.cmpi ne, %convert_element_type3A_139, %cond3A_140 : i32
      scf.if %cond3A_141 {
        %dma_wait3A = arith.constant 0 : i32
        %dma_wait3A_157 = tpu.memref_slice %arg7[%dma_wait3A] : memref<10240xf32, #tpu.memory_space<vmem>> -> memref<5120xf32, #tpu.memory_space<vmem>>
        %dma_wait3A_158 = arith.constant 0 : i32
        %dma_wait3A_159 = tpu.memref_slice %arg2[%dma_wait3A_158] : memref<2621440xf32, #tpu.memory_space<hbm>> -> memref<5120xf32, #tpu.memory_space<hbm>>
        %dma_wait3A_160 = arith.constant 0 : i32
        %dma_wait3A_161 = tpu.memref_slice %arg7[%dma_wait3A_160] : memref<10240xf32, #tpu.memory_space<vmem>> -> memref<5120xf32, #tpu.memory_space<vmem>>
        %dma_wait3A_162 = arith.constant 0 : i32
        %dma_wait3A_163 = tpu.memref_slice %arg2[%dma_wait3A_162] : memref<2621440xf32, #tpu.memory_space<hbm>> -> memref<5120xf32, #tpu.memory_space<hbm>>
        tpu.wait_dma2 semaphore(%arg13 : memref<!tpu.dma_semaphore, #tpu.memory_space<semaphore_mem>>) src(%dma_wait3A_163 : memref<5120xf32, #tpu.memory_space<hbm>>) dst(%dma_wait3A_161 : memref<5120xf32, #tpu.memory_space<vmem>>)
        %dma_wait3A_164 = arith.constant 0 : i32
        %dma_wait3A_165 = tpu.memref_slice %arg8[%dma_wait3A_164] : memref<10240xf32, #tpu.memory_space<vmem>> -> memref<5120xf32, #tpu.memory_space<vmem>>
        %dma_wait3A_166 = arith.constant 0 : i32
        %dma_wait3A_167 = tpu.memref_slice %arg2[%dma_wait3A_166] : memref<2621440xf32, #tpu.memory_space<hbm>> -> memref<5120xf32, #tpu.memory_space<hbm>>
        %dma_wait3A_168 = arith.constant 0 : i32
        %dma_wait3A_169 = tpu.memref_slice %arg8[%dma_wait3A_168] : memref<10240xf32, #tpu.memory_space<vmem>> -> memref<5120xf32, #tpu.memory_space<vmem>>
        %dma_wait3A_170 = arith.constant 0 : i32
        %dma_wait3A_171 = tpu.memref_slice %arg2[%dma_wait3A_170] : memref<2621440xf32, #tpu.memory_space<hbm>> -> memref<5120xf32, #tpu.memory_space<hbm>>
        tpu.wait_dma2 semaphore(%arg13 : memref<!tpu.dma_semaphore, #tpu.memory_space<semaphore_mem>>) src(%dma_wait3A_171 : memref<5120xf32, #tpu.memory_space<hbm>>) dst(%dma_wait3A_169 : memref<5120xf32, #tpu.memory_space<vmem>>)
        %dma_wait3A_172 = arith.constant 0 : i32
        %dma_wait3A_173 = tpu.memref_slice %arg9[%dma_wait3A_172] : memref<10240xf32, #tpu.memory_space<vmem>> -> memref<5120xf32, #tpu.memory_space<vmem>>
        %dma_wait3A_174 = arith.constant 0 : i32
        %dma_wait3A_175 = tpu.memref_slice %arg2[%dma_wait3A_174] : memref<2621440xf32, #tpu.memory_space<hbm>> -> memref<5120xf32, #tpu.memory_space<hbm>>
        %dma_wait3A_176 = arith.constant 0 : i32
        %dma_wait3A_177 = tpu.memref_slice %arg9[%dma_wait3A_176] : memref<10240xf32, #tpu.memory_space<vmem>> -> memref<5120xf32, #tpu.memory_space<vmem>>
        %dma_wait3A_178 = arith.constant 0 : i32
        %dma_wait3A_179 = tpu.memref_slice %arg2[%dma_wait3A_178] : memref<2621440xf32, #tpu.memory_space<hbm>> -> memref<5120xf32, #tpu.memory_space<hbm>>
        tpu.wait_dma2 semaphore(%arg13 : memref<!tpu.dma_semaphore, #tpu.memory_space<semaphore_mem>>) src(%dma_wait3A_179 : memref<5120xf32, #tpu.memory_space<hbm>>) dst(%dma_wait3A_177 : memref<5120xf32, #tpu.memory_space<vmem>>)
      } else {
      }
      %mul3A_142 = arith.constant 5120 : i32
      %mul3A_143 = arith.muli %rem3A_134, %mul3A_142 : i32
      %mul3A_144 = arith.constant 5 : i32
      %mul3A_145 = arith.muli %scan3A_130, %mul3A_144 : i32
      %add3A_146 = arith.addi %mul3A_2, %mul3A_145 : i32
      %scan3A_147 = arith.constant 0 : i32
      %scan3A_148 = arith.constant 5 : i32
      %scan3A_149 = arith.addi %scan3A_147, %scan3A_148 : i32
      %scan3A_150 = arith.constant 1 : i32
      %scan3A_151:2 = scf.for %scan3A_157 = %scan3A_147 to %scan3A_149 step %scan3A_150 iter_args(%scan3A_158 = %scan3A_131, %scan3A_159 = %scan3A_132) -> (vector<16xf32>, vector<16xf32>)  : i32 {
        %add3A_160 = arith.addi %add3A_146, %scan3A_157 : i32
        %rem3A_161 = arith.constant 16 : i32
        %rem3A_162 = arith.remsi %add3A_160, %rem3A_161 : i32
        %mul3A_163 = arith.constant 128 : i32
        %mul3A_164 = arith.muli %rem3A_162, %mul3A_163 : i32
        %mul3A_165 = arith.constant 1024 : i32
        %mul3A_166 = arith.muli %scan3A_157, %mul3A_165 : i32
        %add3A_167 = arith.addi %mul3A_143, %mul3A_166 : i32
        %scan3A_168 = arith.constant 0 : i32
        %scan3A_169 = arith.constant 2 : i32
        %scan3A_170 = arith.addi %scan3A_168, %scan3A_169 : i32
        %scan3A_171 = arith.constant 1 : i32
        %scan3A_172:2 = scf.for %scan3A_174 = %scan3A_168 to %scan3A_170 step %scan3A_171 iter_args(%scan3A_175 = %scan3A_158, %scan3A_176 = %scan3A_159) -> (vector<16xf32>, vector<16xf32>)  : i32 {
          %mul3A_177 = arith.constant 64 : i32
          %mul3A_178 = arith.muli %scan3A_174, %mul3A_177 : i32
          %add3A_179 = arith.constant 0 : i32
          %add3A_180 = arith.addi %mul3A_178, %add3A_179 : i32
          %add3A_181 = arith.addi %mul3A_164, %add3A_180 : i32
          %get3A = arith.index_cast %add3A_181 : i32 to index
          %get3A_182 = tpu.vector_load %arg10[%get3A] {strides = array<i32>} : memref<2048xf32, #tpu.memory_space<vmem>>, vector<16xf32>,
          %get3A_183 = vector.shape_cast %get3A_182 : vector<16xf32> to vector<16xf32>
          %add3A_184 = arith.constant 0 : i32
          %add3A_185 = arith.addi %add3A_167, %add3A_184 : i32
          %add3A_186 = arith.addi %add3A_185, %add3A_180 : i32
          %get3A_187 = arith.index_cast %add3A_186 : i32 to index
          %get3A_188 = tpu.vector_load %arg7[%get3A_187] {strides = array<i32>} : memref<10240xf32, #tpu.memory_space<vmem>>, vector<16xf32>,
          %get3A_189 = vector.shape_cast %get3A_188 : vector<16xf32> to vector<16xf32>
          %get3A_190 = arith.index_cast %add3A_186 : i32 to index
          %get3A_191 = tpu.vector_load %arg8[%get3A_190] {strides = array<i32>} : memref<10240xf32, #tpu.memory_space<vmem>>, vector<16xf32>,
          %get3A_192 = vector.shape_cast %get3A_191 : vector<16xf32> to vector<16xf32>
          %get3A_193 = arith.index_cast %add3A_186 : i32 to index
          %get3A_194 = tpu.vector_load %arg9[%get3A_193] {strides = array<i32>} : memref<10240xf32, #tpu.memory_space<vmem>>, vector<16xf32>,
          %get3A_195 = vector.shape_cast %get3A_194 : vector<16xf32> to vector<16xf32>
          %sub3A_196 = arith.subf %get3A_192, %get3A_189 : vector<16xf32>
          %abs3A = math.absf %sub3A_196 : vector<16xf32>
          %sub3A_197 = arith.subf %get3A_195, %get3A_189 : vector<16xf32>
          %abs3A_198 = math.absf %sub3A_197 : vector<16xf32>
          %add3A_199 = arith.constant 128 : i32
          %add3A_200 = arith.addi %add3A_167, %add3A_199 : i32
          %add3A_201 = arith.addi %add3A_200, %add3A_180 : i32
          %get3A_202 = arith.index_cast %add3A_201 : i32 to index
          %get3A_203 = tpu.vector_load %arg7[%get3A_202] {strides = array<i32>} : memref<10240xf32, #tpu.memory_space<vmem>>, vector<16xf32>,
          %get3A_204 = vector.shape_cast %get3A_203 : vector<16xf32> to vector<16xf32>
          %get3A_205 = arith.index_cast %add3A_201 : i32 to index
          %get3A_206 = tpu.vector_load %arg8[%get3A_205] {strides = array<i32>} : memref<10240xf32, #tpu.memory_space<vmem>>, vector<16xf32>,
          %get3A_207 = vector.shape_cast %get3A_206 : vector<16xf32> to vector<16xf32>
          %get3A_208 = arith.index_cast %add3A_201 : i32 to index
          %get3A_209 = tpu.vector_load %arg9[%get3A_208] {strides = array<i32>} : memref<10240xf32, #tpu.memory_space<vmem>>, vector<16xf32>,
          %get3A_210 = vector.shape_cast %get3A_209 : vector<16xf32> to vector<16xf32>
          %sub3A_211 = arith.subf %get3A_207, %get3A_204 : vector<16xf32>
          %abs3A_212 = math.absf %sub3A_211 : vector<16xf32>
          %sub3A_213 = arith.subf %get3A_210, %get3A_204 : vector<16xf32>
          %abs3A_214 = math.absf %sub3A_213 : vector<16xf32>
          %add3A_215 = arith.addf %abs3A, %abs3A_212 : vector<16xf32>
          %add3A_216 = arith.addf %abs3A_198, %abs3A_214 : vector<16xf32>
          %add3A_217 = arith.constant 256 : i32
          %add3A_218 = arith.addi %add3A_167, %add3A_217 : i32
          %add3A_219 = arith.addi %add3A_218, %add3A_180 : i32
          %get3A_220 = arith.index_cast %add3A_219 : i32 to index
          %get3A_221 = tpu.vector_load %arg7[%get3A_220] {strides = array<i32>} : memref<10240xf32, #tpu.memory_space<vmem>>, vector<16xf32>,
          %get3A_222 = vector.shape_cast %get3A_221 : vector<16xf32> to vector<16xf32>
          %get3A_223 = arith.index_cast %add3A_219 : i32 to index
          %get3A_224 = tpu.vector_load %arg8[%get3A_223] {strides = array<i32>} : memref<10240xf32, #tpu.memory_space<vmem>>, vector<16xf32>,
          %get3A_225 = vector.shape_cast %get3A_224 : vector<16xf32> to vector<16xf32>
          %get3A_226 = arith.index_cast %add3A_219 : i32 to index
          %get3A_227 = tpu.vector_load %arg9[%get3A_226] {strides = array<i32>} : memref<10240xf32, #tpu.memory_space<vmem>>, vector<16xf32>,
          %get3A_228 = vector.shape_cast %get3A_227 : vector<16xf32> to vector<16xf32>
          %sub3A_229 = arith.subf %get3A_225, %get3A_222 : vector<16xf32>
          %abs3A_230 = math.absf %sub3A_229 : vector<16xf32>
          %sub3A_231 = arith.subf %get3A_228, %get3A_222 : vector<16xf32>
          %abs3A_232 = math.absf %sub3A_231 : vector<16xf32>
          %add3A_233 = arith.addf %add3A_215, %abs3A_230 : vector<16xf32>
          %add3A_234 = arith.addf %add3A_216, %abs3A_232 : vector<16xf32>
          %add3A_235 = arith.constant 384 : i32
          %add3A_236 = arith.addi %add3A_167, %add3A_235 : i32
          %add3A_237 = arith.addi %add3A_236, %add3A_180 : i32
          %get3A_238 = arith.index_cast %add3A_237 : i32 to index
          %get3A_239 = tpu.vector_load %arg7[%get3A_238] {strides = array<i32>} : memref<10240xf32, #tpu.memory_space<vmem>>, vector<16xf32>,
          %get3A_240 = vector.shape_cast %get3A_239 : vector<16xf32> to vector<16xf32>
          %get3A_241 = arith.index_cast %add3A_237 : i32 to index
          %get3A_242 = tpu.vector_load %arg8[%get3A_241] {strides = array<i32>} : memref<10240xf32, #tpu.memory_space<vmem>>, vector<16xf32>,
          %get3A_243 = vector.shape_cast %get3A_242 : vector<16xf32> to vector<16xf32>
          %get3A_244 = arith.index_cast %add3A_237 : i32 to index
          %get3A_245 = tpu.vector_load %arg9[%get3A_244] {strides = array<i32>} : memref<10240xf32, #tpu.memory_space<vmem>>, vector<16xf32>,
          %get3A_246 = vector.shape_cast %get3A_245 : vector<16xf32> to vector<16xf32>
          %sub3A_247 = arith.subf %get3A_243, %get3A_240 : vector<16xf32>
          %abs3A_248 = math.absf %sub3A_247 : vector<16xf32>
          %sub3A_249 = arith.subf %get3A_246, %get3A_240 : vector<16xf32>
          %abs3A_250 = math.absf %sub3A_249 : vector<16xf32>
          %add3A_251 = arith.addf %add3A_233, %abs3A_248 : vector<16xf32>
          %add3A_252 = arith.addf %add3A_234, %abs3A_250 : vector<16xf32>
          %add3A_253 = arith.constant 512 : i32
          %add3A_254 = arith.addi %add3A_167, %add3A_253 : i32
          %add3A_255 = arith.addi %add3A_254, %add3A_180 : i32
          %get3A_256 = arith.index_cast %add3A_255 : i32 to index
          %get3A_257 = tpu.vector_load %arg7[%get3A_256] {strides = array<i32>} : memref<10240xf32, #tpu.memory_space<vmem>>, vector<16xf32>,
          %get3A_258 = vector.shape_cast %get3A_257 : vector<16xf32> to vector<16xf32>
          %get3A_259 = arith.index_cast %add3A_255 : i32 to index
          %get3A_260 = tpu.vector_load %arg8[%get3A_259] {strides = array<i32>} : memref<10240xf32, #tpu.memory_space<vmem>>, vector<16xf32>,
          %get3A_261 = vector.shape_cast %get3A_260 : vector<16xf32> to vector<16xf32>
          %get3A_262 = arith.index_cast %add3A_255 : i32 to index
          %get3A_263 = tpu.vector_load %arg9[%get3A_262] {strides = array<i32>} : memref<10240xf32, #tpu.memory_space<vmem>>, vector<16xf32>,
          %get3A_264 = vector.shape_cast %get3A_263 : vector<16xf32> to vector<16xf32>
          %sub3A_265 = arith.subf %get3A_261, %get3A_258 : vector<16xf32>
          %abs3A_266 = math.absf %sub3A_265 : vector<16xf32>
          %sub3A_267 = arith.subf %get3A_264, %get3A_258 : vector<16xf32>
          %abs3A_268 = math.absf %sub3A_267 : vector<16xf32>
          %add3A_269 = arith.addf %add3A_251, %abs3A_266 : vector<16xf32>
          %add3A_270 = arith.addf %add3A_252, %abs3A_268 : vector<16xf32>
          %add3A_271 = arith.constant 640 : i32
          %add3A_272 = arith.addi %add3A_167, %add3A_271 : i32
          %add3A_273 = arith.addi %add3A_272, %add3A_180 : i32
          %get3A_274 = arith.index_cast %add3A_273 : i32 to index
          %get3A_275 = tpu.vector_load %arg7[%get3A_274] {strides = array<i32>} : memref<10240xf32, #tpu.memory_space<vmem>>, vector<16xf32>,
          %get3A_276 = vector.shape_cast %get3A_275 : vector<16xf32> to vector<16xf32>
          %get3A_277 = arith.index_cast %add3A_273 : i32 to index
          %get3A_278 = tpu.vector_load %arg8[%get3A_277] {strides = array<i32>} : memref<10240xf32, #tpu.memory_space<vmem>>, vector<16xf32>,
          %get3A_279 = vector.shape_cast %get3A_278 : vector<16xf32> to vector<16xf32>
          %get3A_280 = arith.index_cast %add3A_273 : i32 to index
          %get3A_281 = tpu.vector_load %arg9[%get3A_280] {strides = array<i32>} : memref<10240xf32, #tpu.memory_space<vmem>>, vector<16xf32>,
          %get3A_282 = vector.shape_cast %get3A_281 : vector<16xf32> to vector<16xf32>
          %sub3A_283 = arith.subf %get3A_279, %get3A_276 : vector<16xf32>
          %abs3A_284 = math.absf %sub3A_283 : vector<16xf32>
          %sub3A_285 = arith.subf %get3A_282, %get3A_276 : vector<16xf32>
          %abs3A_286 = math.absf %sub3A_285 : vector<16xf32>
          %add3A_287 = arith.addf %add3A_269, %abs3A_284 : vector<16xf32>
          %add3A_288 = arith.addf %add3A_270, %abs3A_286 : vector<16xf32>
          %add3A_289 = arith.constant 768 : i32
          %add3A_290 = arith.addi %add3A_167, %add3A_289 : i32
          %add3A_291 = arith.addi %add3A_290, %add3A_180 : i32
          %get3A_292 = arith.index_cast %add3A_291 : i32 to index
          %get3A_293 = tpu.vector_load %arg7[%get3A_292] {strides = array<i32>} : memref<10240xf32, #tpu.memory_space<vmem>>, vector<16xf32>,
          %get3A_294 = vector.shape_cast %get3A_293 : vector<16xf32> to vector<16xf32>
          %get3A_295 = arith.index_cast %add3A_291 : i32 to index
          %get3A_296 = tpu.vector_load %arg8[%get3A_295] {strides = array<i32>} : memref<10240xf32, #tpu.memory_space<vmem>>, vector<16xf32>,
          %get3A_297 = vector.shape_cast %get3A_296 : vector<16xf32> to vector<16xf32>
          %get3A_298 = arith.index_cast %add3A_291 : i32 to index
          %get3A_299 = tpu.vector_load %arg9[%get3A_298] {strides = array<i32>} : memref<10240xf32, #tpu.memory_space<vmem>>, vector<16xf32>,
          %get3A_300 = vector.shape_cast %get3A_299 : vector<16xf32> to vector<16xf32>
          %sub3A_301 = arith.subf %get3A_297, %get3A_294 : vector<16xf32>
          %abs3A_302 = math.absf %sub3A_301 : vector<16xf32>
          %sub3A_303 = arith.subf %get3A_300, %get3A_294 : vector<16xf32>
          %abs3A_304 = math.absf %sub3A_303 : vector<16xf32>
          %add3A_305 = arith.addf %add3A_287, %abs3A_302 : vector<16xf32>
          %add3A_306 = arith.addf %add3A_288, %abs3A_304 : vector<16xf32>
          %add3A_307 = arith.constant 896 : i32
          %add3A_308 = arith.addi %add3A_167, %add3A_307 : i32
          %add3A_309 = arith.addi %add3A_308, %add3A_180 : i32
          %get3A_310 = arith.index_cast %add3A_309 : i32 to index
          %get3A_311 = tpu.vector_load %arg7[%get3A_310] {strides = array<i32>} : memref<10240xf32, #tpu.memory_space<vmem>>, vector<16xf32>,
          %get3A_312 = vector.shape_cast %get3A_311 : vector<16xf32> to vector<16xf32>
          %get3A_313 = arith.index_cast %add3A_309 : i32 to index
          %get3A_314 = tpu.vector_load %arg8[%get3A_313] {strides = array<i32>} : memref<10240xf32, #tpu.memory_space<vmem>>, vector<16xf32>,
          %get3A_315 = vector.shape_cast %get3A_314 : vector<16xf32> to vector<16xf32>
          %get3A_316 = arith.index_cast %add3A_309 : i32 to index
          %get3A_317 = tpu.vector_load %arg9[%get3A_316] {strides = array<i32>} : memref<10240xf32, #tpu.memory_space<vmem>>, vector<16xf32>,
          %get3A_318 = vector.shape_cast %get3A_317 : vector<16xf32> to vector<16xf32>
          %sub3A_319 = arith.subf %get3A_315, %get3A_312 : vector<16xf32>
          %abs3A_320 = math.absf %sub3A_319 : vector<16xf32>
          %sub3A_321 = arith.subf %get3A_318, %get3A_312 : vector<16xf32>
          %abs3A_322 = math.absf %sub3A_321 : vector<16xf32>
          %add3A_323 = arith.addf %add3A_305, %abs3A_320 : vector<16xf32>
          %add3A_324 = arith.addf %add3A_306, %abs3A_322 : vector<16xf32>
          %mul3A_325 = arith.mulf %get3A_183, %add3A_323 : vector<16xf32>
          %add3A_326 = arith.addf %scan3A_175, %mul3A_325 : vector<16xf32>
          %mul3A_327 = arith.mulf %get3A_183, %add3A_324 : vector<16xf32>
          %add3A_328 = arith.addf %scan3A_176, %mul3A_327 : vector<16xf32>
          %add3A_329 = arith.constant 16 : i32
          %add3A_330 = arith.addi %mul3A_178, %add3A_329 : i32
          %add3A_331 = arith.addi %mul3A_164, %add3A_330 : i32
          %get3A_332 = arith.index_cast %add3A_331 : i32 to index
          %get3A_333 = tpu.vector_load %arg10[%get3A_332] {strides = array<i32>} : memref<2048xf32, #tpu.memory_space<vmem>>, vector<16xf32>,
          %get3A_334 = vector.shape_cast %get3A_333 : vector<16xf32> to vector<16xf32>
          %add3A_335 = arith.constant 0 : i32
          %add3A_336 = arith.addi %add3A_167, %add3A_335 : i32
          %add3A_337 = arith.addi %add3A_336, %add3A_330 : i32
          %get3A_338 = arith.index_cast %add3A_337 : i32 to index
          %get3A_339 = tpu.vector_load %arg7[%get3A_338] {strides = array<i32>} : memref<10240xf32, #tpu.memory_space<vmem>>, vector<16xf32>,
          %get3A_340 = vector.shape_cast %get3A_339 : vector<16xf32> to vector<16xf32>
          %get3A_341 = arith.index_cast %add3A_337 : i32 to index
          %get3A_342 = tpu.vector_load %arg8[%get3A_341] {strides = array<i32>} : memref<10240xf32, #tpu.memory_space<vmem>>, vector<16xf32>,
          %get3A_343 = vector.shape_cast %get3A_342 : vector<16xf32> to vector<16xf32>
          %get3A_344 = arith.index_cast %add3A_337 : i32 to index
          %get3A_345 = tpu.vector_load %arg9[%get3A_344] {strides = array<i32>} : memref<10240xf32, #tpu.memory_space<vmem>>, vector<16xf32>,
          %get3A_346 = vector.shape_cast %get3A_345 : vector<16xf32> to vector<16xf32>
          %sub3A_347 = arith.subf %get3A_343, %get3A_340 : vector<16xf32>
          %abs3A_348 = math.absf %sub3A_347 : vector<16xf32>
          %sub3A_349 = arith.subf %get3A_346, %get3A_340 : vector<16xf32>
          %abs3A_350 = math.absf %sub3A_349 : vector<16xf32>
          %add3A_351 = arith.constant 128 : i32
          %add3A_352 = arith.addi %add3A_167, %add3A_351 : i32
          %add3A_353 = arith.addi %add3A_352, %add3A_330 : i32
          %get3A_354 = arith.index_cast %add3A_353 : i32 to index
          %get3A_355 = tpu.vector_load %arg7[%get3A_354] {strides = array<i32>} : memref<10240xf32, #tpu.memory_space<vmem>>, vector<16xf32>,
          %get3A_356 = vector.shape_cast %get3A_355 : vector<16xf32> to vector<16xf32>
          %get3A_357 = arith.index_cast %add3A_353 : i32 to index
          %get3A_358 = tpu.vector_load %arg8[%get3A_357] {strides = array<i32>} : memref<10240xf32, #tpu.memory_space<vmem>>, vector<16xf32>,
          %get3A_359 = vector.shape_cast %get3A_358 : vector<16xf32> to vector<16xf32>
          %get3A_360 = arith.index_cast %add3A_353 : i32 to index
          %get3A_361 = tpu.vector_load %arg9[%get3A_360] {strides = array<i32>} : memref<10240xf32, #tpu.memory_space<vmem>>, vector<16xf32>,
          %get3A_362 = vector.shape_cast %get3A_361 : vector<16xf32> to vector<16xf32>
          %sub3A_363 = arith.subf %get3A_359, %get3A_356 : vector<16xf32>
          %abs3A_364 = math.absf %sub3A_363 : vector<16xf32>
          %sub3A_365 = arith.subf %get3A_362, %get3A_356 : vector<16xf32>
          %abs3A_366 = math.absf %sub3A_365 : vector<16xf32>
          %add3A_367 = arith.addf %abs3A_348, %abs3A_364 : vector<16xf32>
          %add3A_368 = arith.addf %abs3A_350, %abs3A_366 : vector<16xf32>
          %add3A_369 = arith.constant 256 : i32
          %add3A_370 = arith.addi %add3A_167, %add3A_369 : i32
          %add3A_371 = arith.addi %add3A_370, %add3A_330 : i32
          %get3A_372 = arith.index_cast %add3A_371 : i32 to index
          %get3A_373 = tpu.vector_load %arg7[%get3A_372] {strides = array<i32>} : memref<10240xf32, #tpu.memory_space<vmem>>, vector<16xf32>,
          %get3A_374 = vector.shape_cast %get3A_373 : vector<16xf32> to vector<16xf32>
          %get3A_375 = arith.index_cast %add3A_371 : i32 to index
          %get3A_376 = tpu.vector_load %arg8[%get3A_375] {strides = array<i32>} : memref<10240xf32, #tpu.memory_space<vmem>>, vector<16xf32>,
          %get3A_377 = vector.shape_cast %get3A_376 : vector<16xf32> to vector<16xf32>
          %get3A_378 = arith.index_cast %add3A_371 : i32 to index
          %get3A_379 = tpu.vector_load %arg9[%get3A_378] {strides = array<i32>} : memref<10240xf32, #tpu.memory_space<vmem>>, vector<16xf32>,
          %get3A_380 = vector.shape_cast %get3A_379 : vector<16xf32> to vector<16xf32>
          %sub3A_381 = arith.subf %get3A_377, %get3A_374 : vector<16xf32>
          %abs3A_382 = math.absf %sub3A_381 : vector<16xf32>
          %sub3A_383 = arith.subf %get3A_380, %get3A_374 : vector<16xf32>
          %abs3A_384 = math.absf %sub3A_383 : vector<16xf32>
          %add3A_385 = arith.addf %add3A_367, %abs3A_382 : vector<16xf32>
          %add3A_386 = arith.addf %add3A_368, %abs3A_384 : vector<16xf32>
          %add3A_387 = arith.constant 384 : i32
          %add3A_388 = arith.addi %add3A_167, %add3A_387 : i32
          %add3A_389 = arith.addi %add3A_388, %add3A_330 : i32
          %get3A_390 = arith.index_cast %add3A_389 : i32 to index
          %get3A_391 = tpu.vector_load %arg7[%get3A_390] {strides = array<i32>} : memref<10240xf32, #tpu.memory_space<vmem>>, vector<16xf32>,
          %get3A_392 = vector.shape_cast %get3A_391 : vector<16xf32> to vector<16xf32>
          %get3A_393 = arith.index_cast %add3A_389 : i32 to index
          %get3A_394 = tpu.vector_load %arg8[%get3A_393] {strides = array<i32>} : memref<10240xf32, #tpu.memory_space<vmem>>, vector<16xf32>,
          %get3A_395 = vector.shape_cast %get3A_394 : vector<16xf32> to vector<16xf32>
          %get3A_396 = arith.index_cast %add3A_389 : i32 to index
          %get3A_397 = tpu.vector_load %arg9[%get3A_396] {strides = array<i32>} : memref<10240xf32, #tpu.memory_space<vmem>>, vector<16xf32>,
          %get3A_398 = vector.shape_cast %get3A_397 : vector<16xf32> to vector<16xf32>
          %sub3A_399 = arith.subf %get3A_395, %get3A_392 : vector<16xf32>
          %abs3A_400 = math.absf %sub3A_399 : vector<16xf32>
          %sub3A_401 = arith.subf %get3A_398, %get3A_392 : vector<16xf32>
          %abs3A_402 = math.absf %sub3A_401 : vector<16xf32>
          %add3A_403 = arith.addf %add3A_385, %abs3A_400 : vector<16xf32>
          %add3A_404 = arith.addf %add3A_386, %abs3A_402 : vector<16xf32>
          %add3A_405 = arith.constant 512 : i32
          %add3A_406 = arith.addi %add3A_167, %add3A_405 : i32
          %add3A_407 = arith.addi %add3A_406, %add3A_330 : i32
          %get3A_408 = arith.index_cast %add3A_407 : i32 to index
          %get3A_409 = tpu.vector_load %arg7[%get3A_408] {strides = array<i32>} : memref<10240xf32, #tpu.memory_space<vmem>>, vector<16xf32>,
          %get3A_410 = vector.shape_cast %get3A_409 : vector<16xf32> to vector<16xf32>
          %get3A_411 = arith.index_cast %add3A_407 : i32 to index
          %get3A_412 = tpu.vector_load %arg8[%get3A_411] {strides = array<i32>} : memref<10240xf32, #tpu.memory_space<vmem>>, vector<16xf32>,
          %get3A_413 = vector.shape_cast %get3A_412 : vector<16xf32> to vector<16xf32>
          %get3A_414 = arith.index_cast %add3A_407 : i32 to index
          %get3A_415 = tpu.vector_load %arg9[%get3A_414] {strides = array<i32>} : memref<10240xf32, #tpu.memory_space<vmem>>, vector<16xf32>,
          %get3A_416 = vector.shape_cast %get3A_415 : vector<16xf32> to vector<16xf32>
          %sub3A_417 = arith.subf %get3A_413, %get3A_410 : vector<16xf32>
          %abs3A_418 = math.absf %sub3A_417 : vector<16xf32>
          %sub3A_419 = arith.subf %get3A_416, %get3A_410 : vector<16xf32>
          %abs3A_420 = math.absf %sub3A_419 : vector<16xf32>
          %add3A_421 = arith.addf %add3A_403, %abs3A_418 : vector<16xf32>
          %add3A_422 = arith.addf %add3A_404, %abs3A_420 : vector<16xf32>
          %add3A_423 = arith.constant 640 : i32
          %add3A_424 = arith.addi %add3A_167, %add3A_423 : i32
          %add3A_425 = arith.addi %add3A_424, %add3A_330 : i32
          %get3A_426 = arith.index_cast %add3A_425 : i32 to index
          %get3A_427 = tpu.vector_load %arg7[%get3A_426] {strides = array<i32>} : memref<10240xf32, #tpu.memory_space<vmem>>, vector<16xf32>,
          %get3A_428 = vector.shape_cast %get3A_427 : vector<16xf32> to vector<16xf32>
          %get3A_429 = arith.index_cast %add3A_425 : i32 to index
          %get3A_430 = tpu.vector_load %arg8[%get3A_429] {strides = array<i32>} : memref<10240xf32, #tpu.memory_space<vmem>>, vector<16xf32>,
          %get3A_431 = vector.shape_cast %get3A_430 : vector<16xf32> to vector<16xf32>
          %get3A_432 = arith.index_cast %add3A_425 : i32 to index
          %get3A_433 = tpu.vector_load %arg9[%get3A_432] {strides = array<i32>} : memref<10240xf32, #tpu.memory_space<vmem>>, vector<16xf32>,
          %get3A_434 = vector.shape_cast %get3A_433 : vector<16xf32> to vector<16xf32>
          %sub3A_435 = arith.subf %get3A_431, %get3A_428 : vector<16xf32>
          %abs3A_436 = math.absf %sub3A_435 : vector<16xf32>
          %sub3A_437 = arith.subf %get3A_434, %get3A_428 : vector<16xf32>
          %abs3A_438 = math.absf %sub3A_437 : vector<16xf32>
          %add3A_439 = arith.addf %add3A_421, %abs3A_436 : vector<16xf32>
          %add3A_440 = arith.addf %add3A_422, %abs3A_438 : vector<16xf32>
          %add3A_441 = arith.constant 768 : i32
          %add3A_442 = arith.addi %add3A_167, %add3A_441 : i32
          %add3A_443 = arith.addi %add3A_442, %add3A_330 : i32
          %get3A_444 = arith.index_cast %add3A_443 : i32 to index
          %get3A_445 = tpu.vector_load %arg7[%get3A_444] {strides = array<i32>} : memref<10240xf32, #tpu.memory_space<vmem>>, vector<16xf32>,
          %get3A_446 = vector.shape_cast %get3A_445 : vector<16xf32> to vector<16xf32>
          %get3A_447 = arith.index_cast %add3A_443 : i32 to index
          %get3A_448 = tpu.vector_load %arg8[%get3A_447] {strides = array<i32>} : memref<10240xf32, #tpu.memory_space<vmem>>, vector<16xf32>,
          %get3A_449 = vector.shape_cast %get3A_448 : vector<16xf32> to vector<16xf32>
          %get3A_450 = arith.index_cast %add3A_443 : i32 to index
          %get3A_451 = tpu.vector_load %arg9[%get3A_450] {strides = array<i32>} : memref<10240xf32, #tpu.memory_space<vmem>>, vector<16xf32>,
          %get3A_452 = vector.shape_cast %get3A_451 : vector<16xf32> to vector<16xf32>
          %sub3A_453 = arith.subf %get3A_449, %get3A_446 : vector<16xf32>
          %abs3A_454 = math.absf %sub3A_453 : vector<16xf32>
          %sub3A_455 = arith.subf %get3A_452, %get3A_446 : vector<16xf32>
          %abs3A_456 = math.absf %sub3A_455 : vector<16xf32>
          %add3A_457 = arith.addf %add3A_439, %abs3A_454 : vector<16xf32>
          %add3A_458 = arith.addf %add3A_440, %abs3A_456 : vector<16xf32>
          %add3A_459 = arith.constant 896 : i32
          %add3A_460 = arith.addi %add3A_167, %add3A_459 : i32
          %add3A_461 = arith.addi %add3A_460, %add3A_330 : i32
          %get3A_462 = arith.index_cast %add3A_461 : i32 to index
          %get3A_463 = tpu.vector_load %arg7[%get3A_462] {strides = array<i32>} : memref<10240xf32, #tpu.memory_space<vmem>>, vector<16xf32>,
          %get3A_464 = vector.shape_cast %get3A_463 : vector<16xf32> to vector<16xf32>
          %get3A_465 = arith.index_cast %add3A_461 : i32 to index
          %get3A_466 = tpu.vector_load %arg8[%get3A_465] {strides = array<i32>} : memref<10240xf32, #tpu.memory_space<vmem>>, vector<16xf32>,
          %get3A_467 = vector.shape_cast %get3A_466 : vector<16xf32> to vector<16xf32>
          %get3A_468 = arith.index_cast %add3A_461 : i32 to index
          %get3A_469 = tpu.vector_load %arg9[%get3A_468] {strides = array<i32>} : memref<10240xf32, #tpu.memory_space<vmem>>, vector<16xf32>,
          %get3A_470 = vector.shape_cast %get3A_469 : vector<16xf32> to vector<16xf32>
          %sub3A_471 = arith.subf %get3A_467, %get3A_464 : vector<16xf32>
          %abs3A_472 = math.absf %sub3A_471 : vector<16xf32>
          %sub3A_473 = arith.subf %get3A_470, %get3A_464 : vector<16xf32>
          %abs3A_474 = math.absf %sub3A_473 : vector<16xf32>
          %add3A_475 = arith.addf %add3A_457, %abs3A_472 : vector<16xf32>
          %add3A_476 = arith.addf %add3A_458, %abs3A_474 : vector<16xf32>
          %mul3A_477 = arith.mulf %get3A_334, %add3A_475 : vector<16xf32>
          %add3A_478 = arith.addf %add3A_326, %mul3A_477 : vector<16xf32>
          %mul3A_479 = arith.mulf %get3A_334, %add3A_476 : vector<16xf32>
          %add3A_480 = arith.addf %add3A_328, %mul3A_479 : vector<16xf32>
          %add3A_481 = arith.constant 32 : i32
          %add3A_482 = arith.addi %mul3A_178, %add3A_481 : i32
          %add3A_483 = arith.addi %mul3A_164, %add3A_482 : i32
          %get3A_484 = arith.index_cast %add3A_483 : i32 to index
          %get3A_485 = tpu.vector_load %arg10[%get3A_484] {strides = array<i32>} : memref<2048xf32, #tpu.memory_space<vmem>>, vector<16xf32>,
          %get3A_486 = vector.shape_cast %get3A_485 : vector<16xf32> to vector<16xf32>
          %add3A_487 = arith.constant 0 : i32
          %add3A_488 = arith.addi %add3A_167, %add3A_487 : i32
          %add3A_489 = arith.addi %add3A_488, %add3A_482 : i32
          %get3A_490 = arith.index_cast %add3A_489 : i32 to index
          %get3A_491 = tpu.vector_load %arg7[%get3A_490] {strides = array<i32>} : memref<10240xf32, #tpu.memory_space<vmem>>, vector<16xf32>,
          %get3A_492 = vector.shape_cast %get3A_491 : vector<16xf32> to vector<16xf32>
          %get3A_493 = arith.index_cast %add3A_489 : i32 to index
          %get3A_494 = tpu.vector_load %arg8[%get3A_493] {strides = array<i32>} : memref<10240xf32, #tpu.memory_space<vmem>>, vector<16xf32>,
          %get3A_495 = vector.shape_cast %get3A_494 : vector<16xf32> to vector<16xf32>
          %get3A_496 = arith.index_cast %add3A_489 : i32 to index
          %get3A_497 = tpu.vector_load %arg9[%get3A_496] {strides = array<i32>} : memref<10240xf32, #tpu.memory_space<vmem>>, vector<16xf32>,
          %get3A_498 = vector.shape_cast %get3A_497 : vector<16xf32> to vector<16xf32>
          %sub3A_499 = arith.subf %get3A_495, %get3A_492 : vector<16xf32>
          %abs3A_500 = math.absf %sub3A_499 : vector<16xf32>
          %sub3A_501 = arith.subf %get3A_498, %get3A_492 : vector<16xf32>
          %abs3A_502 = math.absf %sub3A_501 : vector<16xf32>
          %add3A_503 = arith.constant 128 : i32
          %add3A_504 = arith.addi %add3A_167, %add3A_503 : i32
          %add3A_505 = arith.addi %add3A_504, %add3A_482 : i32
          %get3A_506 = arith.index_cast %add3A_505 : i32 to index
          %get3A_507 = tpu.vector_load %arg7[%get3A_506] {strides = array<i32>} : memref<10240xf32, #tpu.memory_space<vmem>>, vector<16xf32>,
          %get3A_508 = vector.shape_cast %get3A_507 : vector<16xf32> to vector<16xf32>
          %get3A_509 = arith.index_cast %add3A_505 : i32 to index
          %get3A_510 = tpu.vector_load %arg8[%get3A_509] {strides = array<i32>} : memref<10240xf32, #tpu.memory_space<vmem>>, vector<16xf32>,
          %get3A_511 = vector.shape_cast %get3A_510 : vector<16xf32> to vector<16xf32>
          %get3A_512 = arith.index_cast %add3A_505 : i32 to index
          %get3A_513 = tpu.vector_load %arg9[%get3A_512] {strides = array<i32>} : memref<10240xf32, #tpu.memory_space<vmem>>, vector<16xf32>,
          %get3A_514 = vector.shape_cast %get3A_513 : vector<16xf32> to vector<16xf32>
          %sub3A_515 = arith.subf %get3A_511, %get3A_508 : vector<16xf32>
          %abs3A_516 = math.absf %sub3A_515 : vector<16xf32>
          %sub3A_517 = arith.subf %get3A_514, %get3A_508 : vector<16xf32>
          %abs3A_518 = math.absf %sub3A_517 : vector<16xf32>
          %add3A_519 = arith.addf %abs3A_500, %abs3A_516 : vector<16xf32>
          %add3A_520 = arith.addf %abs3A_502, %abs3A_518 : vector<16xf32>
          %add3A_521 = arith.constant 256 : i32
          %add3A_522 = arith.addi %add3A_167, %add3A_521 : i32
          %add3A_523 = arith.addi %add3A_522, %add3A_482 : i32
          %get3A_524 = arith.index_cast %add3A_523 : i32 to index
          %get3A_525 = tpu.vector_load %arg7[%get3A_524] {strides = array<i32>} : memref<10240xf32, #tpu.memory_space<vmem>>, vector<16xf32>,
          %get3A_526 = vector.shape_cast %get3A_525 : vector<16xf32> to vector<16xf32>
          %get3A_527 = arith.index_cast %add3A_523 : i32 to index
          %get3A_528 = tpu.vector_load %arg8[%get3A_527] {strides = array<i32>} : memref<10240xf32, #tpu.memory_space<vmem>>, vector<16xf32>,
          %get3A_529 = vector.shape_cast %get3A_528 : vector<16xf32> to vector<16xf32>
          %get3A_530 = arith.index_cast %add3A_523 : i32 to index
          %get3A_531 = tpu.vector_load %arg9[%get3A_530] {strides = array<i32>} : memref<10240xf32, #tpu.memory_space<vmem>>, vector<16xf32>,
          %get3A_532 = vector.shape_cast %get3A_531 : vector<16xf32> to vector<16xf32>
          %sub3A_533 = arith.subf %get3A_529, %get3A_526 : vector<16xf32>
          %abs3A_534 = math.absf %sub3A_533 : vector<16xf32>
          %sub3A_535 = arith.subf %get3A_532, %get3A_526 : vector<16xf32>
          %abs3A_536 = math.absf %sub3A_535 : vector<16xf32>
          %add3A_537 = arith.addf %add3A_519, %abs3A_534 : vector<16xf32>
          %add3A_538 = arith.addf %add3A_520, %abs3A_536 : vector<16xf32>
          %add3A_539 = arith.constant 384 : i32
          %add3A_540 = arith.addi %add3A_167, %add3A_539 : i32
          %add3A_541 = arith.addi %add3A_540, %add3A_482 : i32
          %get3A_542 = arith.index_cast %add3A_541 : i32 to index
          %get3A_543 = tpu.vector_load %arg7[%get3A_542] {strides = array<i32>} : memref<10240xf32, #tpu.memory_space<vmem>>, vector<16xf32>,
          %get3A_544 = vector.shape_cast %get3A_543 : vector<16xf32> to vector<16xf32>
          %get3A_545 = arith.index_cast %add3A_541 : i32 to index
          %get3A_546 = tpu.vector_load %arg8[%get3A_545] {strides = array<i32>} : memref<10240xf32, #tpu.memory_space<vmem>>, vector<16xf32>,
          %get3A_547 = vector.shape_cast %get3A_546 : vector<16xf32> to vector<16xf32>
          %get3A_548 = arith.index_cast %add3A_541 : i32 to index
          %get3A_549 = tpu.vector_load %arg9[%get3A_548] {strides = array<i32>} : memref<10240xf32, #tpu.memory_space<vmem>>, vector<16xf32>,
          %get3A_550 = vector.shape_cast %get3A_549 : vector<16xf32> to vector<16xf32>
          %sub3A_551 = arith.subf %get3A_547, %get3A_544 : vector<16xf32>
          %abs3A_552 = math.absf %sub3A_551 : vector<16xf32>
          %sub3A_553 = arith.subf %get3A_550, %get3A_544 : vector<16xf32>
          %abs3A_554 = math.absf %sub3A_553 : vector<16xf32>
          %add3A_555 = arith.addf %add3A_537, %abs3A_552 : vector<16xf32>
          %add3A_556 = arith.addf %add3A_538, %abs3A_554 : vector<16xf32>
          %add3A_557 = arith.constant 512 : i32
          %add3A_558 = arith.addi %add3A_167, %add3A_557 : i32
          %add3A_559 = arith.addi %add3A_558, %add3A_482 : i32
          %get3A_560 = arith.index_cast %add3A_559 : i32 to index
          %get3A_561 = tpu.vector_load %arg7[%get3A_560] {strides = array<i32>} : memref<10240xf32, #tpu.memory_space<vmem>>, vector<16xf32>,
          %get3A_562 = vector.shape_cast %get3A_561 : vector<16xf32> to vector<16xf32>
          %get3A_563 = arith.index_cast %add3A_559 : i32 to index
          %get3A_564 = tpu.vector_load %arg8[%get3A_563] {strides = array<i32>} : memref<10240xf32, #tpu.memory_space<vmem>>, vector<16xf32>,
          %get3A_565 = vector.shape_cast %get3A_564 : vector<16xf32> to vector<16xf32>
          %get3A_566 = arith.index_cast %add3A_559 : i32 to index
          %get3A_567 = tpu.vector_load %arg9[%get3A_566] {strides = array<i32>} : memref<10240xf32, #tpu.memory_space<vmem>>, vector<16xf32>,
          %get3A_568 = vector.shape_cast %get3A_567 : vector<16xf32> to vector<16xf32>
          %sub3A_569 = arith.subf %get3A_565, %get3A_562 : vector<16xf32>
          %abs3A_570 = math.absf %sub3A_569 : vector<16xf32>
          %sub3A_571 = arith.subf %get3A_568, %get3A_562 : vector<16xf32>
          %abs3A_572 = math.absf %sub3A_571 : vector<16xf32>
          %add3A_573 = arith.addf %add3A_555, %abs3A_570 : vector<16xf32>
          %add3A_574 = arith.addf %add3A_556, %abs3A_572 : vector<16xf32>
          %add3A_575 = arith.constant 640 : i32
          %add3A_576 = arith.addi %add3A_167, %add3A_575 : i32
          %add3A_577 = arith.addi %add3A_576, %add3A_482 : i32
          %get3A_578 = arith.index_cast %add3A_577 : i32 to index
          %get3A_579 = tpu.vector_load %arg7[%get3A_578] {strides = array<i32>} : memref<10240xf32, #tpu.memory_space<vmem>>, vector<16xf32>,
          %get3A_580 = vector.shape_cast %get3A_579 : vector<16xf32> to vector<16xf32>
          %get3A_581 = arith.index_cast %add3A_577 : i32 to index
          %get3A_582 = tpu.vector_load %arg8[%get3A_581] {strides = array<i32>} : memref<10240xf32, #tpu.memory_space<vmem>>, vector<16xf32>,
          %get3A_583 = vector.shape_cast %get3A_582 : vector<16xf32> to vector<16xf32>
          %get3A_584 = arith.index_cast %add3A_577 : i32 to index
          %get3A_585 = tpu.vector_load %arg9[%get3A_584] {strides = array<i32>} : memref<10240xf32, #tpu.memory_space<vmem>>, vector<16xf32>,
          %get3A_586 = vector.shape_cast %get3A_585 : vector<16xf32> to vector<16xf32>
          %sub3A_587 = arith.subf %get3A_583, %get3A_580 : vector<16xf32>
          %abs3A_588 = math.absf %sub3A_587 : vector<16xf32>
          %sub3A_589 = arith.subf %get3A_586, %get3A_580 : vector<16xf32>
          %abs3A_590 = math.absf %sub3A_589 : vector<16xf32>
          %add3A_591 = arith.addf %add3A_573, %abs3A_588 : vector<16xf32>
          %add3A_592 = arith.addf %add3A_574, %abs3A_590 : vector<16xf32>
          %add3A_593 = arith.constant 768 : i32
          %add3A_594 = arith.addi %add3A_167, %add3A_593 : i32
          %add3A_595 = arith.addi %add3A_594, %add3A_482 : i32
          %get3A_596 = arith.index_cast %add3A_595 : i32 to index
          %get3A_597 = tpu.vector_load %arg7[%get3A_596] {strides = array<i32>} : memref<10240xf32, #tpu.memory_space<vmem>>, vector<16xf32>,
          %get3A_598 = vector.shape_cast %get3A_597 : vector<16xf32> to vector<16xf32>
          %get3A_599 = arith.index_cast %add3A_595 : i32 to index
          %get3A_600 = tpu.vector_load %arg8[%get3A_599] {strides = array<i32>} : memref<10240xf32, #tpu.memory_space<vmem>>, vector<16xf32>,
          %get3A_601 = vector.shape_cast %get3A_600 : vector<16xf32> to vector<16xf32>
          %get3A_602 = arith.index_cast %add3A_595 : i32 to index
          %get3A_603 = tpu.vector_load %arg9[%get3A_602] {strides = array<i32>} : memref<10240xf32, #tpu.memory_space<vmem>>, vector<16xf32>,
          %get3A_604 = vector.shape_cast %get3A_603 : vector<16xf32> to vector<16xf32>
          %sub3A_605 = arith.subf %get3A_601, %get3A_598 : vector<16xf32>
          %abs3A_606 = math.absf %sub3A_605 : vector<16xf32>
          %sub3A_607 = arith.subf %get3A_604, %get3A_598 : vector<16xf32>
          %abs3A_608 = math.absf %sub3A_607 : vector<16xf32>
          %add3A_609 = arith.addf %add3A_591, %abs3A_606 : vector<16xf32>
          %add3A_610 = arith.addf %add3A_592, %abs3A_608 : vector<16xf32>
          %add3A_611 = arith.constant 896 : i32
          %add3A_612 = arith.addi %add3A_167, %add3A_611 : i32
          %add3A_613 = arith.addi %add3A_612, %add3A_482 : i32
          %get3A_614 = arith.index_cast %add3A_613 : i32 to index
          %get3A_615 = tpu.vector_load %arg7[%get3A_614] {strides = array<i32>} : memref<10240xf32, #tpu.memory_space<vmem>>, vector<16xf32>,
          %get3A_616 = vector.shape_cast %get3A_615 : vector<16xf32> to vector<16xf32>
          %get3A_617 = arith.index_cast %add3A_613 : i32 to index
          %get3A_618 = tpu.vector_load %arg8[%get3A_617] {strides = array<i32>} : memref<10240xf32, #tpu.memory_space<vmem>>, vector<16xf32>,
          %get3A_619 = vector.shape_cast %get3A_618 : vector<16xf32> to vector<16xf32>
          %get3A_620 = arith.index_cast %add3A_613 : i32 to index
          %get3A_621 = tpu.vector_load %arg9[%get3A_620] {strides = array<i32>} : memref<10240xf32, #tpu.memory_space<vmem>>, vector<16xf32>,
          %get3A_622 = vector.shape_cast %get3A_621 : vector<16xf32> to vector<16xf32>
          %sub3A_623 = arith.subf %get3A_619, %get3A_616 : vector<16xf32>
          %abs3A_624 = math.absf %sub3A_623 : vector<16xf32>
          %sub3A_625 = arith.subf %get3A_622, %get3A_616 : vector<16xf32>
          %abs3A_626 = math.absf %sub3A_625 : vector<16xf32>
          %add3A_627 = arith.addf %add3A_609, %abs3A_624 : vector<16xf32>
          %add3A_628 = arith.addf %add3A_610, %abs3A_626 : vector<16xf32>
          %mul3A_629 = arith.mulf %get3A_486, %add3A_627 : vector<16xf32>
          %add3A_630 = arith.addf %add3A_478, %mul3A_629 : vector<16xf32>
          %mul3A_631 = arith.mulf %get3A_486, %add3A_628 : vector<16xf32>
          %add3A_632 = arith.addf %add3A_480, %mul3A_631 : vector<16xf32>
          %add3A_633 = arith.constant 48 : i32
          %add3A_634 = arith.addi %mul3A_178, %add3A_633 : i32
          %add3A_635 = arith.addi %mul3A_164, %add3A_634 : i32
          %get3A_636 = arith.index_cast %add3A_635 : i32 to index
          %get3A_637 = tpu.vector_load %arg10[%get3A_636] {strides = array<i32>} : memref<2048xf32, #tpu.memory_space<vmem>>, vector<16xf32>,
          %get3A_638 = vector.shape_cast %get3A_637 : vector<16xf32> to vector<16xf32>
          %add3A_639 = arith.constant 0 : i32
          %add3A_640 = arith.addi %add3A_167, %add3A_639 : i32
          %add3A_641 = arith.addi %add3A_640, %add3A_634 : i32
          %get3A_642 = arith.index_cast %add3A_641 : i32 to index
          %get3A_643 = tpu.vector_load %arg7[%get3A_642] {strides = array<i32>} : memref<10240xf32, #tpu.memory_space<vmem>>, vector<16xf32>,
          %get3A_644 = vector.shape_cast %get3A_643 : vector<16xf32> to vector<16xf32>
          %get3A_645 = arith.index_cast %add3A_641 : i32 to index
          %get3A_646 = tpu.vector_load %arg8[%get3A_645] {strides = array<i32>} : memref<10240xf32, #tpu.memory_space<vmem>>, vector<16xf32>,
          %get3A_647 = vector.shape_cast %get3A_646 : vector<16xf32> to vector<16xf32>
          %get3A_648 = arith.index_cast %add3A_641 : i32 to index
          %get3A_649 = tpu.vector_load %arg9[%get3A_648] {strides = array<i32>} : memref<10240xf32, #tpu.memory_space<vmem>>, vector<16xf32>,
          %get3A_650 = vector.shape_cast %get3A_649 : vector<16xf32> to vector<16xf32>
          %sub3A_651 = arith.subf %get3A_647, %get3A_644 : vector<16xf32>
          %abs3A_652 = math.absf %sub3A_651 : vector<16xf32>
          %sub3A_653 = arith.subf %get3A_650, %get3A_644 : vector<16xf32>
          %abs3A_654 = math.absf %sub3A_653 : vector<16xf32>
          %add3A_655 = arith.constant 128 : i32
          %add3A_656 = arith.addi %add3A_167, %add3A_655 : i32
          %add3A_657 = arith.addi %add3A_656, %add3A_634 : i32
          %get3A_658 = arith.index_cast %add3A_657 : i32 to index
          %get3A_659 = tpu.vector_load %arg7[%get3A_658] {strides = array<i32>} : memref<10240xf32, #tpu.memory_space<vmem>>, vector<16xf32>,
          %get3A_660 = vector.shape_cast %get3A_659 : vector<16xf32> to vector<16xf32>
          %get3A_661 = arith.index_cast %add3A_657 : i32 to index
          %get3A_662 = tpu.vector_load %arg8[%get3A_661] {strides = array<i32>} : memref<10240xf32, #tpu.memory_space<vmem>>, vector<16xf32>,
          %get3A_663 = vector.shape_cast %get3A_662 : vector<16xf32> to vector<16xf32>
          %get3A_664 = arith.index_cast %add3A_657 : i32 to index
          %get3A_665 = tpu.vector_load %arg9[%get3A_664] {strides = array<i32>} : memref<10240xf32, #tpu.memory_space<vmem>>, vector<16xf32>,
          %get3A_666 = vector.shape_cast %get3A_665 : vector<16xf32> to vector<16xf32>
          %sub3A_667 = arith.subf %get3A_663, %get3A_660 : vector<16xf32>
          %abs3A_668 = math.absf %sub3A_667 : vector<16xf32>
          %sub3A_669 = arith.subf %get3A_666, %get3A_660 : vector<16xf32>
          %abs3A_670 = math.absf %sub3A_669 : vector<16xf32>
          %add3A_671 = arith.addf %abs3A_652, %abs3A_668 : vector<16xf32>
          %add3A_672 = arith.addf %abs3A_654, %abs3A_670 : vector<16xf32>
          %add3A_673 = arith.constant 256 : i32
          %add3A_674 = arith.addi %add3A_167, %add3A_673 : i32
          %add3A_675 = arith.addi %add3A_674, %add3A_634 : i32
          %get3A_676 = arith.index_cast %add3A_675 : i32 to index
          %get3A_677 = tpu.vector_load %arg7[%get3A_676] {strides = array<i32>} : memref<10240xf32, #tpu.memory_space<vmem>>, vector<16xf32>,
          %get3A_678 = vector.shape_cast %get3A_677 : vector<16xf32> to vector<16xf32>
          %get3A_679 = arith.index_cast %add3A_675 : i32 to index
          %get3A_680 = tpu.vector_load %arg8[%get3A_679] {strides = array<i32>} : memref<10240xf32, #tpu.memory_space<vmem>>, vector<16xf32>,
          %get3A_681 = vector.shape_cast %get3A_680 : vector<16xf32> to vector<16xf32>
          %get3A_682 = arith.index_cast %add3A_675 : i32 to index
          %get3A_683 = tpu.vector_load %arg9[%get3A_682] {strides = array<i32>} : memref<10240xf32, #tpu.memory_space<vmem>>, vector<16xf32>,
          %get3A_684 = vector.shape_cast %get3A_683 : vector<16xf32> to vector<16xf32>
          %sub3A_685 = arith.subf %get3A_681, %get3A_678 : vector<16xf32>
          %abs3A_686 = math.absf %sub3A_685 : vector<16xf32>
          %sub3A_687 = arith.subf %get3A_684, %get3A_678 : vector<16xf32>
          %abs3A_688 = math.absf %sub3A_687 : vector<16xf32>
          %add3A_689 = arith.addf %add3A_671, %abs3A_686 : vector<16xf32>
          %add3A_690 = arith.addf %add3A_672, %abs3A_688 : vector<16xf32>
          %add3A_691 = arith.constant 384 : i32
          %add3A_692 = arith.addi %add3A_167, %add3A_691 : i32
          %add3A_693 = arith.addi %add3A_692, %add3A_634 : i32
          %get3A_694 = arith.index_cast %add3A_693 : i32 to index
          %get3A_695 = tpu.vector_load %arg7[%get3A_694] {strides = array<i32>} : memref<10240xf32, #tpu.memory_space<vmem>>, vector<16xf32>,
          %get3A_696 = vector.shape_cast %get3A_695 : vector<16xf32> to vector<16xf32>
          %get3A_697 = arith.index_cast %add3A_693 : i32 to index
          %get3A_698 = tpu.vector_load %arg8[%get3A_697] {strides = array<i32>} : memref<10240xf32, #tpu.memory_space<vmem>>, vector<16xf32>,
          %get3A_699 = vector.shape_cast %get3A_698 : vector<16xf32> to vector<16xf32>
          %get3A_700 = arith.index_cast %add3A_693 : i32 to index
          %get3A_701 = tpu.vector_load %arg9[%get3A_700] {strides = array<i32>} : memref<10240xf32, #tpu.memory_space<vmem>>, vector<16xf32>,
          %get3A_702 = vector.shape_cast %get3A_701 : vector<16xf32> to vector<16xf32>
          %sub3A_703 = arith.subf %get3A_699, %get3A_696 : vector<16xf32>
          %abs3A_704 = math.absf %sub3A_703 : vector<16xf32>
          %sub3A_705 = arith.subf %get3A_702, %get3A_696 : vector<16xf32>
          %abs3A_706 = math.absf %sub3A_705 : vector<16xf32>
          %add3A_707 = arith.addf %add3A_689, %abs3A_704 : vector<16xf32>
          %add3A_708 = arith.addf %add3A_690, %abs3A_706 : vector<16xf32>
          %add3A_709 = arith.constant 512 : i32
          %add3A_710 = arith.addi %add3A_167, %add3A_709 : i32
          %add3A_711 = arith.addi %add3A_710, %add3A_634 : i32
          %get3A_712 = arith.index_cast %add3A_711 : i32 to index
          %get3A_713 = tpu.vector_load %arg7[%get3A_712] {strides = array<i32>} : memref<10240xf32, #tpu.memory_space<vmem>>, vector<16xf32>,
          %get3A_714 = vector.shape_cast %get3A_713 : vector<16xf32> to vector<16xf32>
          %get3A_715 = arith.index_cast %add3A_711 : i32 to index
          %get3A_716 = tpu.vector_load %arg8[%get3A_715] {strides = array<i32>} : memref<10240xf32, #tpu.memory_space<vmem>>, vector<16xf32>,
          %get3A_717 = vector.shape_cast %get3A_716 : vector<16xf32> to vector<16xf32>
          %get3A_718 = arith.index_cast %add3A_711 : i32 to index
          %get3A_719 = tpu.vector_load %arg9[%get3A_718] {strides = array<i32>} : memref<10240xf32, #tpu.memory_space<vmem>>, vector<16xf32>,
          %get3A_720 = vector.shape_cast %get3A_719 : vector<16xf32> to vector<16xf32>
          %sub3A_721 = arith.subf %get3A_717, %get3A_714 : vector<16xf32>
          %abs3A_722 = math.absf %sub3A_721 : vector<16xf32>
          %sub3A_723 = arith.subf %get3A_720, %get3A_714 : vector<16xf32>
          %abs3A_724 = math.absf %sub3A_723 : vector<16xf32>
          %add3A_725 = arith.addf %add3A_707, %abs3A_722 : vector<16xf32>
          %add3A_726 = arith.addf %add3A_708, %abs3A_724 : vector<16xf32>
          %add3A_727 = arith.constant 640 : i32
          %add3A_728 = arith.addi %add3A_167, %add3A_727 : i32
          %add3A_729 = arith.addi %add3A_728, %add3A_634 : i32
          %get3A_730 = arith.index_cast %add3A_729 : i32 to index
          %get3A_731 = tpu.vector_load %arg7[%get3A_730] {strides = array<i32>} : memref<10240xf32, #tpu.memory_space<vmem>>, vector<16xf32>,
          %get3A_732 = vector.shape_cast %get3A_731 : vector<16xf32> to vector<16xf32>
          %get3A_733 = arith.index_cast %add3A_729 : i32 to index
          %get3A_734 = tpu.vector_load %arg8[%get3A_733] {strides = array<i32>} : memref<10240xf32, #tpu.memory_space<vmem>>, vector<16xf32>,
          %get3A_735 = vector.shape_cast %get3A_734 : vector<16xf32> to vector<16xf32>
          %get3A_736 = arith.index_cast %add3A_729 : i32 to index
          %get3A_737 = tpu.vector_load %arg9[%get3A_736] {strides = array<i32>} : memref<10240xf32, #tpu.memory_space<vmem>>, vector<16xf32>,
          %get3A_738 = vector.shape_cast %get3A_737 : vector<16xf32> to vector<16xf32>
          %sub3A_739 = arith.subf %get3A_735, %get3A_732 : vector<16xf32>
          %abs3A_740 = math.absf %sub3A_739 : vector<16xf32>
          %sub3A_741 = arith.subf %get3A_738, %get3A_732 : vector<16xf32>
          %abs3A_742 = math.absf %sub3A_741 : vector<16xf32>
          %add3A_743 = arith.addf %add3A_725, %abs3A_740 : vector<16xf32>
          %add3A_744 = arith.addf %add3A_726, %abs3A_742 : vector<16xf32>
          %add3A_745 = arith.constant 768 : i32
          %add3A_746 = arith.addi %add3A_167, %add3A_745 : i32
          %add3A_747 = arith.addi %add3A_746, %add3A_634 : i32
          %get3A_748 = arith.index_cast %add3A_747 : i32 to index
          %get3A_749 = tpu.vector_load %arg7[%get3A_748] {strides = array<i32>} : memref<10240xf32, #tpu.memory_space<vmem>>, vector<16xf32>,
          %get3A_750 = vector.shape_cast %get3A_749 : vector<16xf32> to vector<16xf32>
          %get3A_751 = arith.index_cast %add3A_747 : i32 to index
          %get3A_752 = tpu.vector_load %arg8[%get3A_751] {strides = array<i32>} : memref<10240xf32, #tpu.memory_space<vmem>>, vector<16xf32>,
          %get3A_753 = vector.shape_cast %get3A_752 : vector<16xf32> to vector<16xf32>
          %get3A_754 = arith.index_cast %add3A_747 : i32 to index
          %get3A_755 = tpu.vector_load %arg9[%get3A_754] {strides = array<i32>} : memref<10240xf32, #tpu.memory_space<vmem>>, vector<16xf32>,
          %get3A_756 = vector.shape_cast %get3A_755 : vector<16xf32> to vector<16xf32>
          %sub3A_757 = arith.subf %get3A_753, %get3A_750 : vector<16xf32>
          %abs3A_758 = math.absf %sub3A_757 : vector<16xf32>
          %sub3A_759 = arith.subf %get3A_756, %get3A_750 : vector<16xf32>
          %abs3A_760 = math.absf %sub3A_759 : vector<16xf32>
          %add3A_761 = arith.addf %add3A_743, %abs3A_758 : vector<16xf32>
          %add3A_762 = arith.addf %add3A_744, %abs3A_760 : vector<16xf32>
          %add3A_763 = arith.constant 896 : i32
          %add3A_764 = arith.addi %add3A_167, %add3A_763 : i32
          %add3A_765 = arith.addi %add3A_764, %add3A_634 : i32
          %get3A_766 = arith.index_cast %add3A_765 : i32 to index
          %get3A_767 = tpu.vector_load %arg7[%get3A_766] {strides = array<i32>} : memref<10240xf32, #tpu.memory_space<vmem>>, vector<16xf32>,
          %get3A_768 = vector.shape_cast %get3A_767 : vector<16xf32> to vector<16xf32>
          %get3A_769 = arith.index_cast %add3A_765 : i32 to index
          %get3A_770 = tpu.vector_load %arg8[%get3A_769] {strides = array<i32>} : memref<10240xf32, #tpu.memory_space<vmem>>, vector<16xf32>,
          %get3A_771 = vector.shape_cast %get3A_770 : vector<16xf32> to vector<16xf32>
          %get3A_772 = arith.index_cast %add3A_765 : i32 to index
          %get3A_773 = tpu.vector_load %arg9[%get3A_772] {strides = array<i32>} : memref<10240xf32, #tpu.memory_space<vmem>>, vector<16xf32>,
          %get3A_774 = vector.shape_cast %get3A_773 : vector<16xf32> to vector<16xf32>
          %sub3A_775 = arith.subf %get3A_771, %get3A_768 : vector<16xf32>
          %abs3A_776 = math.absf %sub3A_775 : vector<16xf32>
          %sub3A_777 = arith.subf %get3A_774, %get3A_768 : vector<16xf32>
          %abs3A_778 = math.absf %sub3A_777 : vector<16xf32>
          %add3A_779 = arith.addf %add3A_761, %abs3A_776 : vector<16xf32>
          %add3A_780 = arith.addf %add3A_762, %abs3A_778 : vector<16xf32>
          %mul3A_781 = arith.mulf %get3A_638, %add3A_779 : vector<16xf32>
          %add3A_782 = arith.addf %add3A_630, %mul3A_781 : vector<16xf32>
          %mul3A_783 = arith.mulf %get3A_638, %add3A_780 : vector<16xf32>
          %add3A_784 = arith.addf %add3A_632, %mul3A_783 : vector<16xf32>
          scf.yield %add3A_782, %add3A_784 : vector<16xf32>, vector<16xf32>
        }
        %scan3A_173 = arith.constant 2 : i32
        scf.yield %scan3A_172#0, %scan3A_172#1 : vector<16xf32>, vector<16xf32>
      }
      %scan3A_152 = arith.constant 5 : i32
      %lt3A = arith.constant 6 : i32
      %lt3A_153 = arith.cmpi slt, %scan3A_130, %lt3A : i32
      %convert_element_type3A_154 = arith.extui %lt3A_153 : i1 to i32
      %cond3A_155 = arith.constant 0 : i32
      %cond3A_156 = arith.cmpi ne, %convert_element_type3A_154, %cond3A_155 : i32
      scf.if %cond3A_156 {
        %eq3A_157 = arith.constant 0 : i32
        %eq3A_158 = arith.cmpi eq, %rem3A_134, %eq3A_157 : i32
        %convert_element_type3A_159 = arith.extui %eq3A_158 : i1 to i32
        %cond3A_160 = arith.constant 0 : i32
        %cond3A_161 = arith.cmpi ne, %convert_element_type3A_159, %cond3A_160 : i32
        scf.if %cond3A_161 {
          %add3A_167 = arith.constant 2 : i32
          %add3A_168 = arith.addi %scan3A_130, %add3A_167 : i32
          %mul3A_169 = arith.constant 5120 : i32
          %mul3A_170 = arith.muli %add3A_168, %mul3A_169 : i32
          %add3A_171 = arith.addi %mul3A_4, %mul3A_170 : i32
          %dma_start3A_172 = arith.constant 0 : i32
          %dma_start3A_173 = tpu.memref_slice %arg7[%dma_start3A_172] : memref<10240xf32, #tpu.memory_space<vmem>> -> memref<5120xf32, #tpu.memory_space<vmem>>
          %dma_start3A_174 = tpu.memref_slice %arg2[%add3A_171] : memref<2621440xf32, #tpu.memory_space<hbm>> -> memref<5120xf32, #tpu.memory_space<hbm>>
          %dma_start3A_175 = arith.constant 0 : i32
          %dma_start3A_176 = tpu.memref_slice %arg7[%dma_start3A_175] : memref<10240xf32, #tpu.memory_space<vmem>> -> memref<5120xf32, #tpu.memory_space<vmem>>
          %dma_start3A_177 = tpu.memref_slice %arg2[%add3A_171] : memref<2621440xf32, #tpu.memory_space<hbm>> -> memref<5120xf32, #tpu.memory_space<hbm>>
          tpu.enqueue_dma source(%dma_start3A_177 : memref<5120xf32, #tpu.memory_space<hbm>>) target(%dma_start3A_176 : memref<5120xf32, #tpu.memory_space<vmem>>) target_semaphore(%arg12 : memref<!tpu.dma_semaphore, #tpu.memory_space<semaphore_mem>>)
          %dma_start3A_178 = arith.constant 0 : i32
          %dma_start3A_179 = tpu.memref_slice %arg8[%dma_start3A_178] : memref<10240xf32, #tpu.memory_space<vmem>> -> memref<5120xf32, #tpu.memory_space<vmem>>
          %dma_start3A_180 = tpu.memref_slice %arg3[%add3A_171] : memref<2621440xf32, #tpu.memory_space<hbm>> -> memref<5120xf32, #tpu.memory_space<hbm>>
          %dma_start3A_181 = arith.constant 0 : i32
          %dma_start3A_182 = tpu.memref_slice %arg8[%dma_start3A_181] : memref<10240xf32, #tpu.memory_space<vmem>> -> memref<5120xf32, #tpu.memory_space<vmem>>
          %dma_start3A_183 = tpu.memref_slice %arg3[%add3A_171] : memref<2621440xf32, #tpu.memory_space<hbm>> -> memref<5120xf32, #tpu.memory_space<hbm>>
          tpu.enqueue_dma source(%dma_start3A_183 : memref<5120xf32, #tpu.memory_space<hbm>>) target(%dma_start3A_182 : memref<5120xf32, #tpu.memory_space<vmem>>) target_semaphore(%arg12 : memref<!tpu.dma_semaphore, #tpu.memory_space<semaphore_mem>>)
          %dma_start3A_184 = arith.constant 0 : i32
          %dma_start3A_185 = tpu.memref_slice %arg9[%dma_start3A_184] : memref<10240xf32, #tpu.memory_space<vmem>> -> memref<5120xf32, #tpu.memory_space<vmem>>
          %dma_start3A_186 = tpu.memref_slice %arg4[%add3A_171] : memref<2621440xf32, #tpu.memory_space<hbm>> -> memref<5120xf32, #tpu.memory_space<hbm>>
          %dma_start3A_187 = arith.constant 0 : i32
          %dma_start3A_188 = tpu.memref_slice %arg9[%dma_start3A_187] : memref<10240xf32, #tpu.memory_space<vmem>> -> memref<5120xf32, #tpu.memory_space<vmem>>
          %dma_start3A_189 = tpu.memref_slice %arg4[%add3A_171] : memref<2621440xf32, #tpu.memory_space<hbm>> -> memref<5120xf32, #tpu.memory_space<hbm>>
          tpu.enqueue_dma source(%dma_start3A_189 : memref<5120xf32, #tpu.memory_space<hbm>>) target(%dma_start3A_188 : memref<5120xf32, #tpu.memory_space<vmem>>) target_semaphore(%arg12 : memref<!tpu.dma_semaphore, #tpu.memory_space<semaphore_mem>>)
        } else {
        }
        %eq3A_162 = arith.constant 1 : i32
        %eq3A_163 = arith.cmpi eq, %rem3A_134, %eq3A_162 : i32
        %convert_element_type3A_164 = arith.extui %eq3A_163 : i1 to i32
        %cond3A_165 = arith.constant 0 : i32
        %cond3A_166 = arith.cmpi ne, %convert_element_type3A_164, %cond3A_165 : i32
        scf.if %cond3A_166 {
          %add3A_167 = arith.constant 2 : i32
          %add3A_168 = arith.addi %scan3A_130, %add3A_167 : i32
          %mul3A_169 = arith.constant 5120 : i32
          %mul3A_170 = arith.muli %add3A_168, %mul3A_169 : i32
          %add3A_171 = arith.addi %mul3A_4, %mul3A_170 : i32
          %dma_start3A_172 = arith.constant 5120 : i32
          %dma_start3A_173 = tpu.memref_slice %arg7[%dma_start3A_172] : memref<10240xf32, #tpu.memory_space<vmem>> -> memref<5120xf32, #tpu.memory_space<vmem>>
          %dma_start3A_174 = tpu.memref_slice %arg2[%add3A_171] : memref<2621440xf32, #tpu.memory_space<hbm>> -> memref<5120xf32, #tpu.memory_space<hbm>>
          %dma_start3A_175 = arith.constant 5120 : i32
          %dma_start3A_176 = tpu.memref_slice %arg7[%dma_start3A_175] : memref<10240xf32, #tpu.memory_space<vmem>> -> memref<5120xf32, #tpu.memory_space<vmem>>
          %dma_start3A_177 = tpu.memref_slice %arg2[%add3A_171] : memref<2621440xf32, #tpu.memory_space<hbm>> -> memref<5120xf32, #tpu.memory_space<hbm>>
          tpu.enqueue_dma source(%dma_start3A_177 : memref<5120xf32, #tpu.memory_space<hbm>>) target(%dma_start3A_176 : memref<5120xf32, #tpu.memory_space<vmem>>) target_semaphore(%arg13 : memref<!tpu.dma_semaphore, #tpu.memory_space<semaphore_mem>>)
          %dma_start3A_178 = arith.constant 5120 : i32
          %dma_start3A_179 = tpu.memref_slice %arg8[%dma_start3A_178] : memref<10240xf32, #tpu.memory_space<vmem>> -> memref<5120xf32, #tpu.memory_space<vmem>>
          %dma_start3A_180 = tpu.memref_slice %arg3[%add3A_171] : memref<2621440xf32, #tpu.memory_space<hbm>> -> memref<5120xf32, #tpu.memory_space<hbm>>
          %dma_start3A_181 = arith.constant 5120 : i32
          %dma_start3A_182 = tpu.memref_slice %arg8[%dma_start3A_181] : memref<10240xf32, #tpu.memory_space<vmem>> -> memref<5120xf32, #tpu.memory_space<vmem>>
          %dma_start3A_183 = tpu.memref_slice %arg3[%add3A_171] : memref<2621440xf32, #tpu.memory_space<hbm>> -> memref<5120xf32, #tpu.memory_space<hbm>>
          tpu.enqueue_dma source(%dma_start3A_183 : memref<5120xf32, #tpu.memory_space<hbm>>) target(%dma_start3A_182 : memref<5120xf32, #tpu.memory_space<vmem>>) target_semaphore(%arg13 : memref<!tpu.dma_semaphore, #tpu.memory_space<semaphore_mem>>)
          %dma_start3A_184 = arith.constant 5120 : i32
          %dma_start3A_185 = tpu.memref_slice %arg9[%dma_start3A_184] : memref<10240xf32, #tpu.memory_space<vmem>> -> memref<5120xf32, #tpu.memory_space<vmem>>
          %dma_start3A_186 = tpu.memref_slice %arg4[%add3A_171] : memref<2621440xf32, #tpu.memory_space<hbm>> -> memref<5120xf32, #tpu.memory_space<hbm>>
          %dma_start3A_187 = arith.constant 5120 : i32
          %dma_start3A_188 = tpu.memref_slice %arg9[%dma_start3A_187] : memref<10240xf32, #tpu.memory_space<vmem>> -> memref<5120xf32, #tpu.memory_space<vmem>>
          %dma_start3A_189 = tpu.memref_slice %arg4[%add3A_171] : memref<2621440xf32, #tpu.memory_space<hbm>> -> memref<5120xf32, #tpu.memory_space<hbm>>
          tpu.enqueue_dma source(%dma_start3A_189 : memref<5120xf32, #tpu.memory_space<hbm>>) target(%dma_start3A_188 : memref<5120xf32, #tpu.memory_space<vmem>>) target_semaphore(%arg13 : memref<!tpu.dma_semaphore, #tpu.memory_space<semaphore_mem>>)
        } else {
        }
      } else {
      }
      scf.yield %scan3A_151#0, %scan3A_151#1 : vector<16xf32>, vector<16xf32>
    }
    %scan3A_112 = arith.constant 8 : i32
    %swap3A = arith.constant 0 : index
    %swap3A_113 = tpu.vector_load %arg11[%swap3A] {strides = array<i32>} : memref<64xf32, #tpu.memory_space<vmem>>, vector<16xf32>,
    %swap3A_114 = vector.shape_cast %swap3A_113 : vector<16xf32> to vector<16xf32>
    %swap3A_115 = vector.shape_cast %scan3A_111#0 : vector<16xf32> to vector<16xf32>
    tpu.vector_store %arg11[%swap3A], %swap3A_115 {strides = array<i32>} : memref<64xf32, #tpu.memory_space<vmem>>, vector<16xf32>,
    %swap3A_116 = arith.constant 16 : index
    %swap3A_117 = tpu.vector_load %arg11[%swap3A_116] {strides = array<i32>} : memref<64xf32, #tpu.memory_space<vmem>>, vector<16xf32>,
    %swap3A_118 = vector.shape_cast %swap3A_117 : vector<16xf32> to vector<16xf32>
    %swap3A_119 = vector.shape_cast %scan3A_111#1 : vector<16xf32> to vector<16xf32>
    tpu.vector_store %arg11[%swap3A_116], %swap3A_119 {strides = array<i32>} : memref<64xf32, #tpu.memory_space<vmem>>, vector<16xf32>,
    %swap3A_120 = arith.constant 32 : index
    %swap3A_121 = tpu.vector_load %arg11[%swap3A_120] {strides = array<i32>} : memref<64xf32, #tpu.memory_space<vmem>>, vector<16xf32>,
    %swap3A_122 = vector.shape_cast %swap3A_121 : vector<16xf32> to vector<16xf32>
    %swap3A_123 = vector.shape_cast %broadcast_in_dim3A_106 : vector<16xf32> to vector<16xf32>
    tpu.vector_store %arg11[%swap3A_120], %swap3A_123 {strides = array<i32>} : memref<64xf32, #tpu.memory_space<vmem>>, vector<16xf32>,
    %swap3A_124 = arith.constant 48 : index
    %swap3A_125 = tpu.vector_load %arg11[%swap3A_124] {strides = array<i32>} : memref<64xf32, #tpu.memory_space<vmem>>, vector<16xf32>,
    %swap3A_126 = vector.shape_cast %swap3A_125 : vector<16xf32> to vector<16xf32>
    %swap3A_127 = vector.shape_cast %broadcast_in_dim3A_106 : vector<16xf32> to vector<16xf32>
    tpu.vector_store %arg11[%swap3A_124], %swap3A_127 {strides = array<i32>} : memref<64xf32, #tpu.memory_space<vmem>>, vector<16xf32>,
    %mul3A_128 = arith.constant 64 : i32
    %mul3A_129 = arith.muli %add3A, %mul3A_128 : i32
    "tpu.region"() ({
      %run_scoped3A = tpu.sem_alloc : memref<!tpu.dma_semaphore, #tpu.memory_space<semaphore_mem>>
      %dma_start3A_130 = tpu.memref_slice %arg6[%mul3A_129] : memref<2048xf32, #tpu.memory_space<hbm>> -> memref<64xf32, #tpu.memory_space<hbm>>
      %dma_start3A_131 = tpu.memref_slice %arg6[%mul3A_129] : memref<2048xf32, #tpu.memory_space<hbm>> -> memref<64xf32, #tpu.memory_space<hbm>>
      tpu.enqueue_dma source(%arg11 : memref<64xf32, #tpu.memory_space<vmem>>) target(%dma_start3A_131 : memref<64xf32, #tpu.memory_space<hbm>>) target_semaphore(%run_scoped3A : memref<!tpu.dma_semaphore, #tpu.memory_space<semaphore_mem>>)
      %dma_wait3A = tpu.memref_slice %arg6[%mul3A_129] : memref<2048xf32, #tpu.memory_space<hbm>> -> memref<64xf32, #tpu.memory_space<hbm>>
      %dma_wait3A_132 = tpu.memref_slice %arg6[%mul3A_129] : memref<2048xf32, #tpu.memory_space<hbm>> -> memref<64xf32, #tpu.memory_space<hbm>>
      tpu.wait_dma2 semaphore(%run_scoped3A : memref<!tpu.dma_semaphore, #tpu.memory_space<semaphore_mem>>) src(%arg11 : memref<64xf32, #tpu.memory_space<vmem>>) dst(%dma_wait3A_132 : memref<64xf32, #tpu.memory_space<hbm>>)
      tpu.yield
    }) : () -> ()
    return
  }
}

module attributes {stable_mosaic.version = 14 : i64} {
  func.func @_tc_mel_body(%arg0: i32, %arg1: memref<1x80x2048xf32, #tpu.memory_space<vmem>>, %arg2: memref<1x80x2048xf32, #tpu.memory_space<vmem>>, %arg3: memref<1x80x2048xf32, #tpu.memory_space<vmem>>, %arg4: memref<1x1x2048xi32, #tpu.memory_space<vmem>>, %arg5: memref<1x1x2048xf32, #tpu.memory_space<vmem>>, %arg6: memref<1x1x2048xf32, #tpu.memory_space<vmem>>) attributes {dimension_semantics = [#tpu.dimension_semantics<arbitrary>], iteration_bounds = array<i64: 8>, scalar_prefetch = 0 : i64, scratch_operands = 0 : i64, tpu.core_type = #tpu.core_type<tc>, window_params = [{transform_indices = @transform_0, window_bounds = array<i64: 1, 80, 2048>}, {transform_indices = @transform_1, window_bounds = array<i64: 1, 80, 2048>}, {transform_indices = @transform_2, window_bounds = array<i64: 1, 80, 2048>}, {transform_indices = @transform_3, window_bounds = array<i64: 1, 1, 2048>}, {transform_indices = @transform_4, window_bounds = array<i64: 1, 1, 2048>}, {transform_indices = @transform_5, window_bounds = array<i64: 1, 1, 2048>}]} {
    %get3A = arith.constant 0 : index
    %get3A_0 = arith.constant 0 : index
    %get3A_1 = arith.constant 0 : index
    %get3A_2 = vector.load %arg1[%get3A, %get3A_0, %get3A_1] : memref<1x80x2048xf32, #tpu.memory_space<vmem>>, vector<1x80x2048xf32>
    %get3A_3 = vector.shape_cast %get3A_2 : vector<1x80x2048xf32> to vector<80x2048xf32>
    %get3A_4 = arith.constant 0 : index
    %get3A_5 = arith.constant 0 : index
    %get3A_6 = arith.constant 0 : index
    %get3A_7 = vector.load %arg2[%get3A_4, %get3A_5, %get3A_6] : memref<1x80x2048xf32, #tpu.memory_space<vmem>>, vector<1x80x2048xf32>
    %get3A_8 = vector.shape_cast %get3A_7 : vector<1x80x2048xf32> to vector<80x2048xf32>
    %get3A_9 = arith.constant 0 : index
    %get3A_10 = arith.constant 0 : index
    %get3A_11 = arith.constant 0 : index
    %get3A_12 = vector.load %arg3[%get3A_9, %get3A_10, %get3A_11] : memref<1x80x2048xf32, #tpu.memory_space<vmem>>, vector<1x80x2048xf32>
    %get3A_13 = vector.shape_cast %get3A_12 : vector<1x80x2048xf32> to vector<80x2048xf32>
    %get3A_14 = arith.constant 0 : index
    %get3A_15 = arith.constant 0 : index
    %get3A_16 = arith.constant 0 : index
    %get3A_17 = vector.load %arg4[%get3A_14, %get3A_15, %get3A_16] : memref<1x1x2048xi32, #tpu.memory_space<vmem>>, vector<1x1x2048xi32>
    %get3A_18 = vector.shape_cast %get3A_17 : vector<1x1x2048xi32> to vector<1x2048xi32>
    %get3A_19 = arith.constant dense<0> : vector<1x2048xi32>
    %get3A_20 = arith.cmpi ne, %get3A_18, %get3A_19 : vector<1x2048xi32>
    %jit3A = arith.constant 0.000000e+00 : f32
    %jit3A_21 = arith.constant 1.000000e+00 : f32
    %broadcast_in_dim3A = vector.broadcast %jit3A : f32 to vector<1x2048xf32>
    %broadcast_in_dim3A_22 = vector.broadcast %jit3A_21 : f32 to vector<1x2048xf32>
    %select_n3A = arith.select %get3A_20, %broadcast_in_dim3A, %broadcast_in_dim3A_22 : vector<1x2048xi1>, vector<1x2048xf32>
    %sub3A = arith.subf %get3A_8, %get3A_3 : vector<80x2048xf32>
    %abs3A = math.absf %sub3A : vector<80x2048xf32>
    %reduce_sum3A = arith.constant dense<0.000000e+00> : vector<2048xf32>
    %reduce_sum3A_23 = vector.multi_reduction <add>, %abs3A, %reduce_sum3A [0] : vector<80x2048xf32> to vector<2048xf32>
    %broadcast_in_dim3A_24 = vector.shape_cast %reduce_sum3A_23 : vector<2048xf32> to vector<1x2048xf32>
    %sub3A_25 = arith.subf %get3A_13, %get3A_3 : vector<80x2048xf32>
    %abs3A_26 = math.absf %sub3A_25 : vector<80x2048xf32>
    %reduce_sum3A_27 = arith.constant dense<0.000000e+00> : vector<2048xf32>
    %reduce_sum3A_28 = vector.multi_reduction <add>, %abs3A_26, %reduce_sum3A_27 [0] : vector<80x2048xf32> to vector<2048xf32>
    %broadcast_in_dim3A_29 = vector.shape_cast %reduce_sum3A_28 : vector<2048xf32> to vector<1x2048xf32>
    %mul3A = arith.mulf %broadcast_in_dim3A_24, %select_n3A : vector<1x2048xf32>
    %swap3A = arith.constant 0 : index
    %swap3A_30 = arith.constant 0 : index
    %swap3A_31 = arith.constant 0 : index
    %swap3A_32 = vector.load %arg5[%swap3A, %swap3A_30, %swap3A_31] : memref<1x1x2048xf32, #tpu.memory_space<vmem>>, vector<1x1x2048xf32>
    %swap3A_33 = vector.shape_cast %swap3A_32 : vector<1x1x2048xf32> to vector<1x2048xf32>
    %swap3A_34 = vector.shape_cast %mul3A : vector<1x2048xf32> to vector<1x1x2048xf32>
    tpu.vector_store %arg5[%swap3A, %swap3A_30, %swap3A_31], %swap3A_34 {strides = array<i32>} : memref<1x1x2048xf32, #tpu.memory_space<vmem>>, vector<1x1x2048xf32>,
    %mul3A_35 = arith.mulf %broadcast_in_dim3A_29, %select_n3A : vector<1x2048xf32>
    %swap3A_36 = arith.constant 0 : index
    %swap3A_37 = arith.constant 0 : index
    %swap3A_38 = arith.constant 0 : index
    %swap3A_39 = vector.load %arg6[%swap3A_36, %swap3A_37, %swap3A_38] : memref<1x1x2048xf32, #tpu.memory_space<vmem>>, vector<1x1x2048xf32>
    %swap3A_40 = vector.shape_cast %swap3A_39 : vector<1x1x2048xf32> to vector<1x2048xf32>
    %swap3A_41 = vector.shape_cast %mul3A_35 : vector<1x2048xf32> to vector<1x1x2048xf32>
    tpu.vector_store %arg6[%swap3A_36, %swap3A_37, %swap3A_38], %swap3A_41 {strides = array<i32>} : memref<1x1x2048xf32, #tpu.memory_space<vmem>>, vector<1x1x2048xf32>,
    return
  }
  func.func @transform_0(%arg0: i32) -> (i32, i32, i32) {
    %add3A = arith.constant 8 : i32
    %add3A_0 = arith.addi %arg0, %add3A : i32
    %c0_i32 = arith.constant 0 : i32
    %c0_i32_1 = arith.constant 0 : i32
    %c0_i32_2 = arith.constant 0 : i32
    return %add3A_0, %c0_i32, %c0_i32_1 : i32, i32, i32
  }
  func.func @transform_1(%arg0: i32) -> (i32, i32, i32) {
    %add3A = arith.constant 8 : i32
    %add3A_0 = arith.addi %arg0, %add3A : i32
    %c0_i32 = arith.constant 0 : i32
    %c0_i32_1 = arith.constant 0 : i32
    %c0_i32_2 = arith.constant 0 : i32
    return %add3A_0, %c0_i32, %c0_i32_1 : i32, i32, i32
  }
  func.func @transform_2(%arg0: i32) -> (i32, i32, i32) {
    %add3A = arith.constant 8 : i32
    %add3A_0 = arith.addi %arg0, %add3A : i32
    %c0_i32 = arith.constant 0 : i32
    %c0_i32_1 = arith.constant 0 : i32
    %c0_i32_2 = arith.constant 0 : i32
    return %add3A_0, %c0_i32, %c0_i32_1 : i32, i32, i32
  }
  func.func @transform_3(%arg0: i32) -> (i32, i32, i32) {
    %add3A = arith.constant 8 : i32
    %add3A_0 = arith.addi %arg0, %add3A : i32
    %c0_i32 = arith.constant 0 : i32
    %c0_i32_1 = arith.constant 0 : i32
    %c0_i32_2 = arith.constant 0 : i32
    return %add3A_0, %c0_i32, %c0_i32_1 : i32, i32, i32
  }
  func.func @transform_4(%arg0: i32) -> (i32, i32, i32) {
    %c0_i32 = arith.constant 0 : i32
    %c0_i32_0 = arith.constant 0 : i32
    %c0_i32_1 = arith.constant 0 : i32
    return %arg0, %c0_i32, %c0_i32_0 : i32, i32, i32
  }
  func.func @transform_5(%arg0: i32) -> (i32, i32, i32) {
    %c0_i32 = arith.constant 0 : i32
    %c0_i32_0 = arith.constant 0 : i32
    %c0_i32_1 = arith.constant 0 : i32
    return %arg0, %c0_i32, %c0_i32_0 : i32, i32, i32
  }
}

module attributes {stable_mosaic.version = 14 : i64} {
  func.func @_reduce_body(%arg0: memref<16x128xf32, #tpu.memory_space<vmem>>, %arg1: memref<8x1x2048xf32, #tpu.memory_space<vmem>>, %arg2: memref<8x1x2048xf32, #tpu.memory_space<vmem>>, %arg3: memref<16x512xf32, #tpu.memory_space<vmem>>, %arg4: memref<16x512xf32, #tpu.memory_space<vmem>>, %arg5: memref<16x512xf32, #tpu.memory_space<vmem>>, %arg6: memref<16x512xf32, #tpu.memory_space<vmem>>, %arg7: memref<16x512xf32, #tpu.memory_space<vmem>>, %arg8: memref<16x512xf32, #tpu.memory_space<vmem>>, %arg9: memref<16x512xi32, #tpu.memory_space<vmem>>, %arg10: memref<16x1x2048xi32, #tpu.memory_space<vmem>>, %arg11: memref<1x1xf32, #tpu.memory_space<smem>>, %arg12: memref<1x1xf32, #tpu.memory_space<smem>>, %arg13: memref<1x1xf32, #tpu.memory_space<smem>>, %arg14: memref<1x1xf32, #tpu.memory_space<smem>>, %arg15: memref<1x1xf32, #tpu.memory_space<smem>>) attributes {dimension_semantics = [], scalar_prefetch = 0 : i64, scratch_operands = 0 : i64, tpu.core_type = #tpu.core_type<tc>} {
    %get3A = arith.constant 0 : index
    %get3A_0 = arith.constant 0 : index
    %get3A_1 = vector.load %arg0[%get3A, %get3A_0] : memref<16x128xf32, #tpu.memory_space<vmem>>, vector<16x128xf32>
    %reduce_sum3A = arith.constant dense<0.000000e+00> : vector<128xf32>
    %reduce_sum3A_2 = vector.multi_reduction <add>, %get3A_1, %reduce_sum3A [0] : vector<16x128xf32> to vector<128xf32>
    %get3A_3 = arith.constant 0 : index
    %get3A_4 = arith.constant 0 : index
    %get3A_5 = vector.load %arg9[%get3A_3, %get3A_4] : memref<16x512xi32, #tpu.memory_space<vmem>>, vector<16x512xi32>
    %get3A_6 = arith.constant dense<0> : vector<16x512xi32>
    %get3A_7 = arith.cmpi ne, %get3A_5, %get3A_6 : vector<16x512xi32>
    %jit3A = arith.constant 0.000000e+00 : f32
    %jit3A_8 = arith.constant 1.000000e+00 : f32
    %broadcast_in_dim3A = vector.broadcast %jit3A : f32 to vector<16x512xf32>
    %broadcast_in_dim3A_9 = vector.broadcast %jit3A_8 : f32 to vector<16x512xf32>
    %select_n3A = arith.select %get3A_7, %broadcast_in_dim3A, %broadcast_in_dim3A_9 : vector<16x512xi1>, vector<16x512xf32>
    %reduce_sum3A_10 = vector.shape_cast %select_n3A : vector<16x512xf32> to vector<1x16x512xf32>
    %reduce_sum3A_11 = arith.constant dense<0.000000e+00> : vector<1xf32>
    %reduce_sum3A_12 = vector.multi_reduction <add>, %reduce_sum3A_10, %reduce_sum3A_11 [1, 2] : vector<1x16x512xf32> to vector<1xf32>
    %reduce_sum3A_13 = vector.shape_cast %reduce_sum3A_12 : vector<1xf32> to vector<1x1x1xf32>
    %reduce_sum3A_14 = vector.extract %reduce_sum3A_13[0, 0, 0] : f32 from vector<1x1x1xf32>
    %get3A_15 = arith.constant 0 : index
    %get3A_16 = arith.constant 0 : index
    %get3A_17 = vector.load %arg4[%get3A_15, %get3A_16] : memref<16x512xf32, #tpu.memory_space<vmem>>, vector<16x512xf32>
    %get3A_18 = arith.constant 0 : index
    %get3A_19 = arith.constant 0 : index
    %get3A_20 = vector.load %arg3[%get3A_18, %get3A_19] : memref<16x512xf32, #tpu.memory_space<vmem>>, vector<16x512xf32>
    %sub3A = arith.subf %get3A_17, %get3A_20 : vector<16x512xf32>
    %get3A_21 = arith.constant 0 : index
    %get3A_22 = arith.constant 0 : index
    %get3A_23 = vector.load %arg6[%get3A_21, %get3A_22] : memref<16x512xf32, #tpu.memory_space<vmem>>, vector<16x512xf32>
    %get3A_24 = arith.constant 0 : index
    %get3A_25 = arith.constant 0 : index
    %get3A_26 = vector.load %arg5[%get3A_24, %get3A_25] : memref<16x512xf32, #tpu.memory_space<vmem>>, vector<16x512xf32>
    %sub3A_27 = arith.subf %get3A_23, %get3A_26 : vector<16x512xf32>
    %get3A_28 = arith.constant 0 : index
    %get3A_29 = arith.constant 0 : index
    %get3A_30 = vector.load %arg8[%get3A_28, %get3A_29] : memref<16x512xf32, #tpu.memory_space<vmem>>, vector<16x512xf32>
    %get3A_31 = arith.constant 0 : index
    %get3A_32 = arith.constant 0 : index
    %get3A_33 = vector.load %arg7[%get3A_31, %get3A_32] : memref<16x512xf32, #tpu.memory_space<vmem>>, vector<16x512xf32>
    %sub3A_34 = arith.subf %get3A_30, %get3A_33 : vector<16x512xf32>
    %mul3A = arith.mulf %select_n3A, %sub3A : vector<16x512xf32>
    %mul3A_35 = arith.mulf %mul3A, %sub3A : vector<16x512xf32>
    %reduce_sum3A_36 = vector.shape_cast %mul3A_35 : vector<16x512xf32> to vector<1x16x512xf32>
    %reduce_sum3A_37 = arith.constant dense<0.000000e+00> : vector<1xf32>
    %reduce_sum3A_38 = vector.multi_reduction <add>, %reduce_sum3A_36, %reduce_sum3A_37 [1, 2] : vector<1x16x512xf32> to vector<1xf32>
    %reduce_sum3A_39 = vector.shape_cast %reduce_sum3A_38 : vector<1xf32> to vector<1x1x1xf32>
    %reduce_sum3A_40 = vector.extract %reduce_sum3A_39[0, 0, 0] : f32 from vector<1x1x1xf32>
    %div3A = arith.divf %reduce_sum3A_40, %reduce_sum3A_14 : f32
    %swap3A = arith.constant 0 : index
    %swap3A_41 = arith.constant 0 : index
    %swap3A_42 = memref.load %arg11[%swap3A, %swap3A_41] : memref<1x1xf32, #tpu.memory_space<smem>>
    memref.store %div3A, %arg11[%swap3A, %swap3A_41] : memref<1x1xf32, #tpu.memory_space<smem>>
    %mul3A_43 = arith.mulf %select_n3A, %sub3A_27 : vector<16x512xf32>
    %mul3A_44 = arith.mulf %mul3A_43, %sub3A_27 : vector<16x512xf32>
    %reduce_sum3A_45 = vector.shape_cast %mul3A_44 : vector<16x512xf32> to vector<1x16x512xf32>
    %reduce_sum3A_46 = arith.constant dense<0.000000e+00> : vector<1xf32>
    %reduce_sum3A_47 = vector.multi_reduction <add>, %reduce_sum3A_45, %reduce_sum3A_46 [1, 2] : vector<1x16x512xf32> to vector<1xf32>
    %reduce_sum3A_48 = vector.shape_cast %reduce_sum3A_47 : vector<1xf32> to vector<1x1x1xf32>
    %reduce_sum3A_49 = vector.extract %reduce_sum3A_48[0, 0, 0] : f32 from vector<1x1x1xf32>
    %div3A_50 = arith.divf %reduce_sum3A_49, %reduce_sum3A_14 : f32
    %swap3A_51 = arith.constant 0 : index
    %swap3A_52 = arith.constant 0 : index
    %swap3A_53 = memref.load %arg12[%swap3A_51, %swap3A_52] : memref<1x1xf32, #tpu.memory_space<smem>>
    memref.store %div3A_50, %arg12[%swap3A_51, %swap3A_52] : memref<1x1xf32, #tpu.memory_space<smem>>
    %mul3A_54 = arith.mulf %select_n3A, %sub3A_34 : vector<16x512xf32>
    %mul3A_55 = arith.mulf %mul3A_54, %sub3A_34 : vector<16x512xf32>
    %reduce_sum3A_56 = vector.shape_cast %mul3A_55 : vector<16x512xf32> to vector<1x16x512xf32>
    %reduce_sum3A_57 = arith.constant dense<0.000000e+00> : vector<1xf32>
    %reduce_sum3A_58 = vector.multi_reduction <add>, %reduce_sum3A_56, %reduce_sum3A_57 [1, 2] : vector<1x16x512xf32> to vector<1xf32>
    %reduce_sum3A_59 = vector.shape_cast %reduce_sum3A_58 : vector<1xf32> to vector<1x1x1xf32>
    %reduce_sum3A_60 = vector.extract %reduce_sum3A_59[0, 0, 0] : f32 from vector<1x1x1xf32>
    %div3A_61 = arith.divf %reduce_sum3A_60, %reduce_sum3A_14 : f32
    %swap3A_62 = arith.constant 0 : index
    %swap3A_63 = arith.constant 0 : index
    %swap3A_64 = memref.load %arg13[%swap3A_62, %swap3A_63] : memref<1x1xf32, #tpu.memory_space<smem>>
    memref.store %div3A_61, %arg13[%swap3A_62, %swap3A_63] : memref<1x1xf32, #tpu.memory_space<smem>>
    %get3A_65 = arith.constant 0 : index
    %get3A_66 = arith.constant 0 : index
    %get3A_67 = arith.constant 0 : index
    %get3A_68 = vector.load %arg10[%get3A_65, %get3A_66, %get3A_67] : memref<16x1x2048xi32, #tpu.memory_space<vmem>>, vector<16x1x2048xi32>
    %get3A_69 = arith.constant dense<0> : vector<16x1x2048xi32>
    %get3A_70 = arith.cmpi ne, %get3A_68, %get3A_69 : vector<16x1x2048xi32>
    %jit3A_71 = arith.constant 0.000000e+00 : f32
    %jit3A_72 = arith.constant 1.000000e+00 : f32
    %broadcast_in_dim3A_73 = vector.broadcast %jit3A_71 : f32 to vector<16x1x2048xf32>
    %broadcast_in_dim3A_74 = vector.broadcast %jit3A_72 : f32 to vector<16x1x2048xf32>
    %select_n3A_75 = arith.select %get3A_70, %broadcast_in_dim3A_73, %broadcast_in_dim3A_74 : vector<16x1x2048xi1>, vector<16x1x2048xf32>
    %reduce_sum3A_76 = vector.shape_cast %select_n3A_75 : vector<16x1x2048xf32> to vector<1x16x1x2048xf32>
    %reduce_sum3A_77 = arith.constant dense<0.000000e+00> : vector<1xf32>
    %reduce_sum3A_78 = vector.multi_reduction <add>, %reduce_sum3A_76, %reduce_sum3A_77 [1, 2, 3] : vector<1x16x1x2048xf32> to vector<1xf32>
    %reduce_sum3A_79 = vector.shape_cast %reduce_sum3A_78 : vector<1xf32> to vector<1x1x1x1xf32>
    %reduce_sum3A_80 = vector.extract %reduce_sum3A_79[0, 0, 0, 0] : f32 from vector<1x1x1x1xf32>
    %mul3A_81 = arith.constant 8.000000e+01 : f32
    %mul3A_82 = arith.mulf %reduce_sum3A_80, %mul3A_81 : f32
    %slice3A = vector.extract_strided_slice %reduce_sum3A_2 {offsets = [0], sizes = [16], strides = [1]} : vector<128xf32> to vector<16xf32>
    %reduce_sum3A_83 = vector.shape_cast %slice3A : vector<16xf32> to vector<1x16xf32>
    %reduce_sum3A_84 = arith.constant dense<0.000000e+00> : vector<1xf32>
    %reduce_sum3A_85 = vector.multi_reduction <add>, %reduce_sum3A_83, %reduce_sum3A_84 [1] : vector<1x16xf32> to vector<1xf32>
    %reduce_sum3A_86 = vector.shape_cast %reduce_sum3A_85 : vector<1xf32> to vector<1x1xf32>
    %reduce_sum3A_87 = vector.extract %reduce_sum3A_86[0, 0] : f32 from vector<1x1xf32>
    %slice3A_88 = vector.extract_strided_slice %reduce_sum3A_2 {offsets = [64], sizes = [16], strides = [1]} : vector<128xf32> to vector<16xf32>
    %reduce_sum3A_89 = vector.shape_cast %slice3A_88 : vector<16xf32> to vector<1x16xf32>
    %reduce_sum3A_90 = arith.constant dense<0.000000e+00> : vector<1xf32>
    %reduce_sum3A_91 = vector.multi_reduction <add>, %reduce_sum3A_89, %reduce_sum3A_90 [1] : vector<1x16xf32> to vector<1xf32>
    %reduce_sum3A_92 = vector.shape_cast %reduce_sum3A_91 : vector<1xf32> to vector<1x1xf32>
    %reduce_sum3A_93 = vector.extract %reduce_sum3A_92[0, 0] : f32 from vector<1x1xf32>
    %add3A = arith.addf %reduce_sum3A_87, %reduce_sum3A_93 : f32
    %get3A_94 = arith.constant 0 : index
    %get3A_95 = arith.constant 0 : index
    %get3A_96 = arith.constant 0 : index
    %get3A_97 = vector.load %arg1[%get3A_94, %get3A_95, %get3A_96] : memref<8x1x2048xf32, #tpu.memory_space<vmem>>, vector<8x1x2048xf32>
    %reduce_sum3A_98 = vector.shape_cast %get3A_97 : vector<8x1x2048xf32> to vector<1x8x1x2048xf32>
    %reduce_sum3A_99 = arith.constant dense<0.000000e+00> : vector<1xf32>
    %reduce_sum3A_100 = vector.multi_reduction <add>, %reduce_sum3A_98, %reduce_sum3A_99 [1, 2, 3] : vector<1x8x1x2048xf32> to vector<1xf32>
    %reduce_sum3A_101 = vector.shape_cast %reduce_sum3A_100 : vector<1xf32> to vector<1x1x1x1xf32>
    %reduce_sum3A_102 = vector.extract %reduce_sum3A_101[0, 0, 0, 0] : f32 from vector<1x1x1x1xf32>
    %add3A_103 = arith.addf %add3A, %reduce_sum3A_102 : f32
    %div3A_104 = arith.divf %add3A_103, %mul3A_82 : f32
    %swap3A_105 = arith.constant 0 : index
    %swap3A_106 = arith.constant 0 : index
    %swap3A_107 = memref.load %arg14[%swap3A_105, %swap3A_106] : memref<1x1xf32, #tpu.memory_space<smem>>
    memref.store %div3A_104, %arg14[%swap3A_105, %swap3A_106] : memref<1x1xf32, #tpu.memory_space<smem>>
    %slice3A_108 = vector.extract_strided_slice %reduce_sum3A_2 {offsets = [16], sizes = [16], strides = [1]} : vector<128xf32> to vector<16xf32>
    %reduce_sum3A_109 = vector.shape_cast %slice3A_108 : vector<16xf32> to vector<1x16xf32>
    %reduce_sum3A_110 = arith.constant dense<0.000000e+00> : vector<1xf32>
    %reduce_sum3A_111 = vector.multi_reduction <add>, %reduce_sum3A_109, %reduce_sum3A_110 [1] : vector<1x16xf32> to vector<1xf32>
    %reduce_sum3A_112 = vector.shape_cast %reduce_sum3A_111 : vector<1xf32> to vector<1x1xf32>
    %reduce_sum3A_113 = vector.extract %reduce_sum3A_112[0, 0] : f32 from vector<1x1xf32>
    %slice3A_114 = vector.extract_strided_slice %reduce_sum3A_2 {offsets = [80], sizes = [16], strides = [1]} : vector<128xf32> to vector<16xf32>
    %reduce_sum3A_115 = vector.shape_cast %slice3A_114 : vector<16xf32> to vector<1x16xf32>
    %reduce_sum3A_116 = arith.constant dense<0.000000e+00> : vector<1xf32>
    %reduce_sum3A_117 = vector.multi_reduction <add>, %reduce_sum3A_115, %reduce_sum3A_116 [1] : vector<1x16xf32> to vector<1xf32>
    %reduce_sum3A_118 = vector.shape_cast %reduce_sum3A_117 : vector<1xf32> to vector<1x1xf32>
    %reduce_sum3A_119 = vector.extract %reduce_sum3A_118[0, 0] : f32 from vector<1x1xf32>
    %add3A_120 = arith.addf %reduce_sum3A_113, %reduce_sum3A_119 : f32
    %get3A_121 = arith.constant 0 : index
    %get3A_122 = arith.constant 0 : index
    %get3A_123 = arith.constant 0 : index
    %get3A_124 = vector.load %arg2[%get3A_121, %get3A_122, %get3A_123] : memref<8x1x2048xf32, #tpu.memory_space<vmem>>, vector<8x1x2048xf32>
    %reduce_sum3A_125 = vector.shape_cast %get3A_124 : vector<8x1x2048xf32> to vector<1x8x1x2048xf32>
    %reduce_sum3A_126 = arith.constant dense<0.000000e+00> : vector<1xf32>
    %reduce_sum3A_127 = vector.multi_reduction <add>, %reduce_sum3A_125, %reduce_sum3A_126 [1, 2, 3] : vector<1x8x1x2048xf32> to vector<1xf32>
    %reduce_sum3A_128 = vector.shape_cast %reduce_sum3A_127 : vector<1xf32> to vector<1x1x1x1xf32>
    %reduce_sum3A_129 = vector.extract %reduce_sum3A_128[0, 0, 0, 0] : f32 from vector<1x1x1x1xf32>
    %add3A_130 = arith.addf %add3A_120, %reduce_sum3A_129 : f32
    %div3A_131 = arith.divf %add3A_130, %mul3A_82 : f32
    %swap3A_132 = arith.constant 0 : index
    %swap3A_133 = arith.constant 0 : index
    %swap3A_134 = memref.load %arg15[%swap3A_132, %swap3A_133] : memref<1x1xf32, #tpu.memory_space<smem>>
    memref.store %div3A_131, %arg15[%swap3A_132, %swap3A_133] : memref<1x1xf32, #tpu.memory_space<smem>>
    return
  }
}

</mosaic_0001>

<sc_bundles>
// kernel: kernel.5.cloned.1.call-start
scs
__scs_entry_jumppad:
0x0: {  	(pc) =	sbr.rel $0x88, $3  }
0x1: {  	(tag) =	ssettag $0x0;
	lr =	simm.s32 $0x1  }
0x2: {  	[smem:$0x3F96] =	sst lr;
	_ =	strace $0xD0000000  }
0x3: {  	_ = 	snop  }
0x4: {  	_ = 	snop  }
0x5: {  	_ = 	snop  }
0x6: {  	_ = 	snop  }
0x7: {  	_ = 	snop  }
__scs_overlays_trampoline_lowered:
0x8: {  	[smem:$0x3FA5] =	sst s0  }
0x9: {  	[smem:$0x3FA6] =	sst s1  }
0xa: {  	[smem:$0x3FA7] =	sst s2  }
0xb: {  	[smem:$0x3FA8] =	sst s3  }
0xc: {  	[smem:$0x3FA9] =	sst s4  }
0xd: {  	[smem:$0x3FAA] =	sst s5  }
0xe: {  	[smem:$0x3FAB] =	sst s6  }
0xf: {  	[smem:$0x3FAC] =	sst s7  }
0x10: {  	[smem:$0x3FAD] =	sst s8  }
0x11: {  	[smem:$0x3FAE] =	sst s9;
	s0 =	simm.s32 @!p0 $0x0  }
0x12: {  	s1 =	sld [smem:$0x3F94];
	s0 =	simm.s32 @p0 $0x1  }
0x13: {  	[smem:$0x3FAF] =	sst s0;
	s0 =	simm.s32 @!p1 $0x0  }
0x14: {  	s2 =	sld [smem:$0x3F93];
	s0 =	simm.s32 @p1 $0x1  }
0x15: {  	[smem:$0x3FB0] =	sst s0;
	s0 =	simm.s32 @!p2 $0x0  }
0x16: {  	s3 =	sld [smem:$0x3FDB];
	s0 =	simm.s32 @p2 $0x1  }
0x17: {  	s4 =	simm.s32 $0x1BF5;
	[smem:$0x3FB2] =	sst s0  }
0x18: {  	s0 =	sld [smem:$0x3F95];
	_ =	swait.ge [sflag:s4], $0x0  }
0x19: {  	s7 =	sld [smem:$0x3F96]  }
0x1a: {  	s8 =	sadd.s32 $0xFFFFE003, lr  }
0x1b: {  	s9 =	sadd.s32 $0xFFFFFEF7, lr;
	s5 =	simm.s32 $0xFFFFFFFF;
	p2 =	slt.u32 s8, $0xFFFFF086  }
0x1c: {  	p1 =	slt.u32 s9, $0xF7A;
	s5 =	simm.s32 @!p2 $0x0  }
0x1d: {  	s5 =	simm.s32 @p1 $0x1;
	p0 =	seq.s32 s7, s2  }
0x1e: {  	s7 =	smul.u32 @!p0 $0xF7A, s2;
	p2 =	seq.s32 @!p0 s5, $0x0  }
0x1f: {  	s9 =	smul.u32 $0xF7A, s1;
	s8 =	simm.s32 @!p0 $0x1BF5;
	p2 =	por !p2, p0  }
0x20: {  	[sflag:s8] =	ssyncset.s32 @!p0 $0xFFFFF086;
	s6 =	sadd.s32 @!p0 s3, s7;
	s7 =	simm.s32 @!p0 $0x108  }
0x21: {  	s3 =	sadd.s32 s3, s9;
	s6 =	sadd.s32 @!p0 $0x88, s6;
	s7 =	simm.s32 @p2 $0x1082  }
0x22: {  	[simem:s7], [sflag:s8] =	dma.local @!p0 [hbm:s6], $0xF7A  }
0x23: {  	s9 =	sor.u32 $0xD0000000, s2;
	s6 =	simm.s32 $0x108;
	_ =	swait.ge @!p0 [sflag:s8], $0x0  }
0x24: {  	s3 =	sadd.s32 $0x88, s3;
	s6 =	simm.s32 @!p1 $0x1082;
	[sflag:s4] =	ssyncset.s32 $0xFFFFF086  }
0x25: {  	[simem:s6], [sflag:s4] =	dma.local [hbm:s3], $0xF7A  }
0x26: {  	[smem:$0x3F96] =	sst s1;
	(tag) =	ssettag s2;
	_ =	strace s9  }
0x27: {  	s1 =	sld [smem:$0x3FA6]  }
0x28: {  	s2 =	sld [smem:$0x3FA7]  }
0x29: {  	s4 =	sld [smem:$0x3FA9]  }
0x2a: {  	p0 =	seq.s32 s5, $0x0;
	s5 =	sld [smem:$0x3FAA]  }
0x2b: {  	s6 =	sld [smem:$0x3FAB]  }
0x2c: {  	s7 =	sld [smem:$0x3FAC]  }
0x2d: {  	s3 =	simm.s32 $0x108;
	s8 =	sld [smem:$0x3FAD]  }
0x2e: {  	s3 =	simm.s32 @!p0 $0x1082;
	s9 =	sld [smem:$0x3FAE]  }
0x2f: {  	lr =	sadd.s32 s0, s3;
	s0 =	sld [smem:$0x3FA5]  }
0x30: {  	s3 =	sld [smem:$0x3FA8]  }
0x31: {  	[smem:$0x3FB1] =	sst s10  }
0x32: {  	s10 =	sld [smem:$0x3FAF];
	_ =	sdelay $0x3  }
0x33: {  	p0 =	seq.s32 s10, $0x1;
	s10 =	sld [smem:$0x3FB1];
	_ =	sdelay $0x3  }
0x34: {  	[smem:$0x3FB1] =	sst s10  }
0x35: {  	s10 =	sld [smem:$0x3FB0];
	_ =	sdelay $0x3  }
0x36: {  	p1 =	seq.s32 s10, $0x1;
	s10 =	sld [smem:$0x3FB1];
	_ =	sdelay $0x3  }
0x37: {  	[smem:$0x3FB1] =	sst s10  }
0x38: {  	s10 =	sld [smem:$0x3FB2]  }
0x39: {  	_ = 	snop;
	(pc) =	sbr.ind lr, $3  }
0x3a: {  	_ = 	snop  }
0x3b: {  	_ = 	snop  }
0x3c: {  	p2 =	seq.s32 s10, $0x1;
	s10 =	sld [smem:$0x3FB1]  }
0x3d: {  	_ =	shalt  }
0x3e: {  	_ =	shalt  }
0x3f: {  	_ =	shalt  }
0x40: {  	_ =	shalt  }
0x41: {  	_ =	shalt  }
0x42: {  	_ =	shalt  }
0x43: {  	_ =	shalt  }
0x44: {  	_ =	shalt  }
0x45: {  	_ =	shalt  }
0x46: {  	_ =	shalt  }
0x47: {  	_ =	shalt  }
0x48: {  	_ =	shalt  }
0x49: {  	_ =	shalt  }
0x4a: {  	_ =	shalt  }
0x4b: {  	_ =	shalt  }
0x4c: {  	_ =	shalt  }
0x4d: {  	_ =	shalt  }
0x4e: {  	_ =	shalt  }
0x4f: {  	_ =	shalt  }
0x50: {  	_ =	shalt  }
0x51: {  	_ =	shalt  }
0x52: {  	_ =	shalt  }
0x53: {  	_ =	shalt  }
0x54: {  	_ =	shalt  }
0x55: {  	_ =	shalt  }
0x56: {  	_ =	shalt  }
0x57: {  	_ =	shalt  }
0x58: {  	_ =	shalt  }
0x59: {  	_ =	shalt  }
0x5a: {  	_ =	shalt  }
0x5b: {  	_ =	shalt  }
0x5c: {  	_ =	shalt  }
0x5d: {  	_ =	shalt  }
0x5e: {  	_ =	shalt  }
0x5f: {  	_ =	shalt  }
0x60: {  	_ =	shalt  }
0x61: {  	_ =	shalt  }
0x62: {  	_ =	shalt  }
0x63: {  	_ =	shalt  }
0x64: {  	_ =	shalt  }
0x65: {  	_ =	shalt  }
0x66: {  	_ =	shalt  }
0x67: {  	_ =	shalt  }
0x68: {  	_ =	shalt  }
0x69: {  	_ =	shalt  }
0x6a: {  	_ =	shalt  }
0x6b: {  	_ =	shalt  }
0x6c: {  	_ =	shalt  }
0x6d: {  	_ =	shalt  }
0x6e: {  	_ =	shalt  }
0x6f: {  	_ =	shalt  }
0x70: {  	_ =	shalt  }
0x71: {  	_ =	shalt  }
0x72: {  	_ =	shalt  }
0x73: {  	_ =	shalt  }
0x74: {  	_ =	shalt  }
0x75: {  	_ =	shalt  }
0x76: {  	_ =	shalt  }
0x77: {  	_ =	shalt  }
0x78: {  	_ =	shalt  }
0x79: {  	_ =	shalt  }
0x7a: {  	_ =	shalt  }
0x7b: {  	_ =	shalt  }
0x7c: {  	_ =	shalt  }
0x7d: {  	_ =	shalt  }
0x7e: {  	_ =	shalt  }
0x7f: {  	_ =	shalt  }
0x80: {  	_ =	shalt  }
0x81: {  	_ =	shalt  }
0x82: {  	_ =	shalt  }
0x83: {  	_ =	shalt  }
0x84: {  	_ =	shalt  }
0x85: {  	_ =	shalt  }
0x86: {  	_ =	shalt  }
0x87: {  	_ =	shalt  }
.Lfunc_end0:
.L_simem_size_0:
called_computation_lowered:
.L_overlay_start_0:
0x88: {  	s2 =	sld [smem:$0x3FD9]  }
0x89: {  	s3 =	sld [smem:$0x3FFE];
	_ =	sdelay $0x1  }
0x8a: {  	s1 =	srdreg.scid  }
0x8b: {  	s0 =	sand.u32 $0x1, s1  }
0x8c: {  	s17 =	sshll.u32 s0, $0xA;
	s2 =	sadd.s32 s3, s2  }
0x8d: {  	s2 =	sadd.s32 s2, s17  }
0x8e: {  	[smem:$0x3FBD] =	sst s2  }
0x8f: {  	_ = 	snop  }
0x90: {  	s2 =	sld [smem:$0x3FC2]  }
0x91: {  	s18 =	sld [smem:$0x3FC1]  }
0x92: {  	s4 =	sld [smem:$0x3FC0];
	(tm) =	ssettm $0x1  }
0x93: {  	s5 =	sld [smem:$0x3FFB];
	_ =	sdelay $0x3  }
0x94: {  	_ =	strace s5  }
0x95: {  	s5 =	sld [smem:$0x3FFC];
	_ =	sdelay $0x3  }
0x96: {  	_ =	strace s5  }
0x97: {  	s5 =	sld [smem:$0x3FFD];
	_ =	sdelay $0x3  }
0x98: {  	_ =	strace s5  }
0x99: {  	_ =	strace $0x8FFFFFFF  }
0x9a: {  	s19 =	sld [smem:$0x3FDB];
	_ =	sdelay $0x1  }
0x9b: {  	s6 =	simm.s32 $_scs_section_size  }
0x9c: {  	s7 =	simm.s32 $_size__tile_overlayer_lowered;
	s8 =	simm.s32 $_tile_overlayer_lowered  }
0x9d: {  	s22 =	simm.s32 $0x1BFF;
	s21 =	sshll.u32 s8, $0x1;
	s5 =	sadd.s32 s6, s19  }
0x9e: {  	s9 =	simm.s32 $0x0;
	s20 =	sshll.u32 s7, $0x1;
	s7 =	sadd.s32 s21, s5  }
0x9f: {  	[timem:s9], [sflag:s22] =	dma.local [hbm:s7], s20  }
0xa0: {  	_ =	swait.ge [sflag:s22], s20  }
0xa1: {  	s6 =	ssub.s32 $0x0, s20;
	[sflag:s22] =	ssyncset.done $0x0  }
0xa2: {  	[sflag:s22] =	ssyncadd.s32 s6;
	_ =	sdelay $0x1  }
0xa3: {  	s23 =	simm.s32 $0x1B8B  }
0xa4: {  	_ =	swait.ge [sflag:s23], $0x1  }
0xa5: {  	[sflag:s23] =	ssyncset.done $0x0  }
0xa6: {  	s25 =	simm.s32 $0x1B8E;
	s24 =	sld [smem:$0x3FFE];
	[sflag:s23] =	ssyncadd.s32 $0xFFFFFFFF  }
0xa7: {  	s26 =	simm.s32 $execute0_lowered;
	[smem:$0x3FD2] =	sst s25  }
0xa8: {  	s7 =	sshll.u32 s26, $0x1;
	_ =	strace $0x80000046;
	[dreg:$0x1] =	wrdreg $0xFFFFFFFF  }
0xa9: {  	s28 =	simm.s32 $_size_execute0_lowered;
	s5 =	sadd.s32 s5, s7;
	[dreg:$0x0] =	wrdreg $0x0  }
0xaa: {  	s7 =	sshll.u32 s28, $0x1;
	[dreg:$0x2] =	wrdreg s5  }
0xab: {  	[dreg:$0x3] =	wrdreg s7  }
0xac: {  	[dreg:$0x4] =	wrdreg $0xC0  }
0xad: {  	_ =	task [dreg:s9], $0x5FFFF  }
0xae: {  	[dreg:$0x1] =	wrdreg $0xFFFFFFFF  }
0xaf: {  	[dreg:$0x0] =	wrdreg $0x60  }
0xb0: {  	[dreg:$0x2] =	wrdreg s2  }
0xb1: {  	[dreg:$0x3] =	wrdreg s18  }
0xb2: {  	[dreg:$0x4] =	wrdreg s4  }
0xb3: {  	[dreg:$0x5] =	wrdreg s24  }
0xb4: {  	[dreg:$0x6] =	wrdreg $0x9  }
0xb5: {  	_ =	task.clear_ibuf [dreg:s9], $0x7FFFF;
	_ =	strace $0x90000046  }
0xb6: {  	s29 =	simm.s32 $0x9;
	_ =	strace $0x80000048  }
0xb7: {  	_ =	swait.ge [sflag:s29], $0x1  }
0xb8: {  	[sflag:s29] =	ssyncadd.s32 $0xFFFFFFFF  }
0xb9: {  	_ =	strace $0x90000048  }
0xba: {  	_ =	sfence  }
0xbb: {  	s30 =	sld [smem:$0x0];
	_ =	sdelay $0x2  }
0xbc: {  	s31 =	sshll.u32 s1, $0xD;
	s1 =	sshrl.u32 s1, $0x2  }
0xbd: {  	s3 =	sand.u32 $0x4000, s31;
	s1 =	sadd.s32 s1, s30  }
0xbe: {  	s0 =	sor.u32 s3, s0;
	s1 =	sshll.u32 s1, $0x11  }
0xbf: {  	s0 =	sor.u32 s1, s0  }
0xc0: {  	s0 =	sadd.s32 $0x8F2B, s0  }
0xc1: {  	[sflag:s0] =	ssyncadd.remote.s32 $0x1  }
0xc2: {  	_ =	sfence.sel $0xFFFF  }
0xc3: {  	[dreg:$0x0] =	wrdreg $0xFFFFFFFF;
	(pc) =	sbr.abs _section_cstart, $3  }
0xc4: {  	[dreg:$0x1] =	wrdreg $0xFFFFFFFF  }
0xc5: {  	_ =	task.clear_ibuf [dreg:s9], $0x2FFFF;
	_ =	strace $0x9FFFFFFF  }
0xc6: {  	(tm) =	ssettm $0x7FFFFFFF  }
0xc7: {  	_ =	shalt  }
tec
execute0_lowered:
.L_overlay_start_1:
0x0: {  	(tag) =	ssettag $0x1  }
0x1: {  	s1 =	rddreg [dreg:$0x0]  }
0x2: {  	s2 =	rddreg [dreg:$0x1]  }
0x3: {  	s4 =	rddreg [dreg:$0x2]  }
0x4: {  	s0 =	rddreg [dreg:$0x3];
	s5 =	simm.s32 $0x0;
	s3 =	srdreg.scid  }
0x5: {  	s7 =	stileid.u32;
	[smem:$0x7FF] =	sst s5;
	s3 =	sand.u32 $0x1, s3  }
0x6: {  	s6 =	sshll.u32 s7, $0x1;
	s7 =	sshll.u32 s7, $0x3;
	_ =	strace $0x80000047  }
0x7: {  	s6 =	sor.u32 s3, s6;
	s7 =	sand.u32 $0x70, s7;
	s3 =	ssub.s32 $0x2, s3  }
0x8: {  	s8 =	smul.u32 $0xA000, s6;
	s6 =	sshll.u32 s6, $0x3;
	s9 =	sshrl.u32 s3, $0x1  }
0x9: {  	s7 =	sadd.s32 s7, s0;
	s0 =	sadd.s32 s6, s0;
	s3 =	ssub.s32 s3, s9  }
0xa: {  	s22 =	sadd.s32 $0x1E00, s7;
	s24 =	sadd.s32 $0x1E80, s7;
	s25 =	sadd.s32 $0x1F00, s7  }
0xb: {  	s26 =	sadd.s32 $0x1F80, s7;
	s28 =	sadd.s32 $0x2380, s7;
	[dreg:$0xb] =	wrdreg s22  }
0xc: {  	s29 =	sadd.s32 $0x2400, s7;
	s30 =	sadd.s32 $0x2480, s7;
	[dreg:$0xe] =	wrdreg s24  }
0xd: {  	s31 =	sadd.s32 $0x2500, s7;
	s16 =	sshrl.u32 s8, $0x3;
	[dreg:$0xf] =	wrdreg s25  }
0xe: {  	s14 =	sadd.s32 $0x2800, s8;
	s0 =	sadd.s32 $0x2E00, s0;
	[dreg:$0x10] =	wrdreg s26  }
0xf: {  	s23 =	smax.u32 s3, $0x1;
	s22 =	sadd.s32 $0x2100, s7;
	[dreg:$0xc] =	wrdreg s0  }
0x10: {  	s24 =	sadd.s32 $0x2200, s7;
	s10 =	sadd.s32 s1, s16;
	[dreg:$0xd] =	wrdreg s23  }
0x11: {  	s25 =	sadd.s32 $0x2280, s7;
	s17 =	sadd.s32 s2, s16;
	[dreg:$0x5] =	wrdreg s10  }
0x12: {  	s18 =	sor.u32 $0x280, s16;
	s9 =	sadd.s32 s4, s16;
	[dreg:$0x6] =	wrdreg s17  }
0x13: {  	s26 =	sadd.s32 $0x2300, s7;
	[dreg:$0x7] =	wrdreg s9;
	s19 =	sadd.s32 s1, s18  }
0x14: {  	s3 =	simm.s32 $0x3;
	s20 =	sadd.s32 s2, s18;
	[dreg:$0x8] =	wrdreg s19  }
0x15: {  	s8 =	simm.s32 $0x0;
	s21 =	sadd.s32 s4, s18;
	[dreg:$0x9] =	wrdreg s20  }
0x16: {  	s23 =	sadd.s32 $0x2180, s7;
	s0 =	sadd.s32 $0x2580, s7;
	[dreg:$0xa] =	wrdreg s21  }
0x17: {  	v0 =	vimm.f32 $0.0e+00;
	s20 =	sadd.s32 $0x2000, s7;
	s21 =	sadd.s32 $0x2080, s7;
	s7 =	simm.s32 $0x4  }
.LBB2_1:
0x18: {  	s9 =	rddreg [dreg:$0x5]  }
0x19: {  	[tilespmem:s5], [sflag:$0x1] =	stream.linear.gather [hbm4b:s9+s5], $0x1400, $0x38;
	[tilespmem:$0x8080] =	vst v63  }
0x1a: {  	s17 =	rddreg [dreg:$0x6];
	s10 =	simm.s32 $0x2800  }
0x1b: {  	[tilespmem:s10], [sflag:$0x1] =	stream.linear.gather [hbm4b:s17+s5], $0x1400, $0x38;
	[tilespmem:$0x8080] =	vst v63  }
0x1c: {  	s18 =	rddreg [dreg:$0x7];
	s19 =	simm.s32 $0x5000  }
0x1d: {  	[tilespmem:s19], [sflag:$0x1] =	stream.linear.gather [hbm4b:s18+s5], $0x1400, $0x38;
	[tilespmem:$0x8080] =	vst v63  }
0x1e: {  	s11 =	rddreg [dreg:$0x8];
	s12 =	simm.s32 $0x1400  }
0x1f: {  	[tilespmem:s12], [sflag:$0x2] =	stream.linear.gather [hbm4b:s11+s5], $0x1400, $0x38;
	[tilespmem:$0x8080] =	vst v63  }
0x20: {  	s13 =	rddreg [dreg:$0x9];
	s15 =	simm.s32 $0x3C00  }
0x21: {  	[tilespmem:s15], [sflag:$0x2] =	stream.linear.gather [hbm4b:s13+s5], $0x1400, $0x38;
	[tilespmem:$0x8080] =	vst v63  }
0x22: {  	s16 =	rddreg [dreg:$0xa];
	s17 =	simm.s32 $0x6400  }
0x23: {  	[tilespmem:s17], [sflag:$0x2] =	stream.linear.gather [hbm4b:s16+s5], $0x1400, $0x38;
	[tilespmem:$0x8080] =	vst v63  }
0x24: {  	s18 =	rddreg [dreg:$0xb];
	s19 =	simm.s32 $0x7800  }
0x25: {  	[tilespmem:s19], [sflag:$0x3] =	stream.linear.gather [hbm4b:s18+s5], $0x80, $0x38;
	[tilespmem:$0x8080] =	vst v63  }
0x26: {  	s10 =	rddreg [dreg:$0xe];
	s11 =	simm.s32 $0x7880  }
0x27: {  	[tilespmem:s11], [sflag:$0x3] =	stream.linear.gather [hbm4b:s10+s5], $0x80, $0x38;
	[tilespmem:$0x8080] =	vst v63  }
0x28: {  	s12 =	rddreg [dreg:$0xf];
	s13 =	simm.s32 $0x7900  }
0x29: {  	[tilespmem:s13], [sflag:$0x3] =	stream.linear.gather [hbm4b:s12+s5], $0x80, $0x38;
	[tilespmem:$0x8080] =	vst v63  }
0x2a: {  	s15 =	rddreg [dreg:$0x10];
	s16 =	simm.s32 $0x7980  }
0x2b: {  	[tilespmem:s16], [sflag:$0x3] =	stream.linear.gather [hbm4b:s15+s5], $0x80, $0x38;
	[tilespmem:$0x8080] =	vst v63  }
0x2c: {  	s17 =	simm.s32 $0x7A00  }
0x2d: {  	[tilespmem:s17], [sflag:$0x3] =	stream.linear.gather [hbm4b:s20+s5], $0x80, $0x38;
	[tilespmem:$0x8080] =	vst v63  }
0x2e: {  	s18 =	simm.s32 $0x7A80  }
0x2f: {  	[tilespmem:s18], [sflag:$0x3] =	stream.linear.gather [hbm4b:s21+s5], $0x80, $0x38;
	[tilespmem:$0x8080] =	vst v63  }
0x30: {  	s19 =	simm.s32 $0x7B00  }
0x31: {  	[tilespmem:s19], [sflag:$0x3] =	stream.linear.gather [hbm4b:s22+s5], $0x80, $0x38;
	[tilespmem:$0x8080] =	vst v63  }
0x32: {  	s10 =	simm.s32 $0x7B80  }
0x33: {  	[tilespmem:s10], [sflag:$0x3] =	stream.linear.gather [hbm4b:s23+s5], $0x80, $0x38;
	[tilespmem:$0x8080] =	vst v63  }
0x34: {  	s11 =	simm.s32 $0x7C00  }
0x35: {  	[tilespmem:s11], [sflag:$0x3] =	stream.linear.gather [hbm4b:s24+s5], $0x80, $0x38;
	[tilespmem:$0x8080] =	vst v63  }
0x36: {  	s12 =	simm.s32 $0x7C80  }
0x37: {  	[tilespmem:s12], [sflag:$0x3] =	stream.linear.gather [hbm4b:s25+s5], $0x80, $0x38;
	[tilespmem:$0x8080] =	vst v63  }
0x38: {  	s13 =	simm.s32 $0x7D00  }
0x39: {  	[tilespmem:s13], [sflag:$0x3] =	stream.linear.gather [hbm4b:s26+s5], $0x80, $0x38;
	[tilespmem:$0x8080] =	vst v63  }
0x3a: {  	s15 =	simm.s32 $0x7D80  }
0x3b: {  	[tilespmem:s15], [sflag:$0x3] =	stream.linear.gather [hbm4b:s28+s5], $0x80, $0x38;
	[tilespmem:$0x8080] =	vst v63  }
0x3c: {  	s16 =	simm.s32 $0x7E00  }
0x3d: {  	[tilespmem:s16], [sflag:$0x3] =	stream.linear.gather [hbm4b:s29+s5], $0x80, $0x38;
	[tilespmem:$0x8080] =	vst v63  }
0x3e: {  	s17 =	simm.s32 $0x7E80  }
0x3f: {  	[tilespmem:s17], [sflag:$0x3] =	stream.linear.gather [hbm4b:s30+s5], $0x80, $0x38;
	[tilespmem:$0x8080] =	vst v63  }
0x40: {  	s18 =	simm.s32 $0x7F00  }
0x41: {  	[tilespmem:s18], [sflag:$0x3] =	stream.linear.gather [hbm4b:s31+s5], $0x80, $0x38;
	[tilespmem:$0x8080] =	vst v63  }
0x42: {  	s19 =	simm.s32 $0x7F80  }
0x43: {  	[tilespmem:s19], [sflag:$0x3] =	stream.linear.gather [hbm4b:s0+s5], $0x80, $0x38;
	[tilespmem:$0x8080] =	vst v63  }
0x44: {  	_ =	swait.ge [sflag:s3], $0x80  }
0x45: {  	[sflag:s3] =	ssyncset.done $0x0  }
0x46: {  	[sflag:s3] =	ssyncadd.s32 $0xFFFFFF80  }
0x47: {  	_ =	swait.ge [sflag:s3], $0x80  }
0x48: {  	[sflag:s3] =	ssyncset.done $0x0  }
0x49: {  	[sflag:s3] =	ssyncadd.s32 $0xFFFFFF80  }
0x4a: {  	_ =	swait.ge [sflag:s3], $0x80  }
0x4b: {  	[sflag:s3] =	ssyncset.done $0x0  }
0x4c: {  	[sflag:s3] =	ssyncadd.s32 $0xFFFFFF80  }
0x4d: {  	_ =	swait.ge [sflag:s3], $0x80  }
0x4e: {  	[sflag:s3] =	ssyncset.done $0x0  }
0x4f: {  	[sflag:s3] =	ssyncadd.s32 $0xFFFFFF80  }
0x50: {  	_ =	swait.ge [sflag:s3], $0x80  }
0x51: {  	[sflag:s3] =	ssyncset.done $0x0  }
0x52: {  	[sflag:s3] =	ssyncadd.s32 $0xFFFFFF80  }
0x53: {  	_ =	swait.ge [sflag:s3], $0x80  }
0x54: {  	[sflag:s3] =	ssyncset.done $0x0  }
0x55: {  	[sflag:s3] =	ssyncadd.s32 $0xFFFFFF80  }
0x56: {  	_ =	swait.ge [sflag:s3], $0x80  }
0x57: {  	[sflag:s3] =	ssyncset.done $0x0  }
0x58: {  	[sflag:s3] =	ssyncadd.s32 $0xFFFFFF80  }
0x59: {  	_ =	swait.ge [sflag:s3], $0x80  }
0x5a: {  	[sflag:s3] =	ssyncset.done $0x0  }
0x5b: {  	[sflag:s3] =	ssyncadd.s32 $0xFFFFFF80  }
0x5c: {  	_ =	swait.ge [sflag:s3], $0x80  }
0x5d: {  	[sflag:s3] =	ssyncset.done $0x0  }
0x5e: {  	[sflag:s3] =	ssyncadd.s32 $0xFFFFFF80  }
0x5f: {  	_ =	swait.ge [sflag:s3], $0x80  }
0x60: {  	[sflag:s3] =	ssyncset.done $0x0  }
0x61: {  	[sflag:s3] =	ssyncadd.s32 $0xFFFFFF80  }
0x62: {  	_ =	swait.ge [sflag:s3], $0x80  }
0x63: {  	[sflag:s3] =	ssyncset.done $0x0  }
0x64: {  	[sflag:s3] =	ssyncadd.s32 $0xFFFFFF80  }
0x65: {  	_ =	swait.ge [sflag:s3], $0x80  }
0x66: {  	[sflag:s3] =	ssyncset.done $0x0  }
0x67: {  	[sflag:s3] =	ssyncadd.s32 $0xFFFFFF80  }
0x68: {  	_ =	swait.ge [sflag:s3], $0x80  }
0x69: {  	[sflag:s3] =	ssyncset.done $0x0  }
0x6a: {  	[sflag:s3] =	ssyncadd.s32 $0xFFFFFF80  }
0x6b: {  	_ =	swait.ge [sflag:s3], $0x80  }
0x6c: {  	[sflag:s3] =	ssyncset.done $0x0  }
0x6d: {  	[sflag:s3] =	ssyncadd.s32 $0xFFFFFF80  }
0x6e: {  	_ =	swait.ge [sflag:s3], $0x80  }
0x6f: {  	[sflag:s3] =	ssyncset.done $0x0  }
0x70: {  	[sflag:s3] =	ssyncadd.s32 $0xFFFFFF80  }
0x71: {  	_ =	swait.ge [sflag:s3], $0x80  }
0x72: {  	[sflag:s3] =	ssyncset.done $0x0  }
0x73: {  	v2 =	vimm.f32 $0.0e+00;
	v3 =	vimm.f32 $0.0e+00;
	s9 =	simm.s32 $0x0;
	[sflag:s3] =	ssyncadd.s32 $0xFFFFFF80  }
.LBB2_2:
0x74: {  	s10 =	sand.u32 $0x1, s9  }
0x75: {  	s11 =	simm.s32 $0x1;
	p0 =	seq.s32 s10, $0x0  }
0x76: {  	s11 =	simm.s32 @!p0 $0x2  }
0x77: {  	_ =	swait.ge [sflag:s11], $0x1400  }
0x78: {  	[sflag:s11] =	ssyncset.done $0x0  }
0x79: {  	[sflag:s11] =	ssyncadd.s32 $0xFFFFEC00  }
0x7a: {  	_ =	swait.ge [sflag:s11], $0x1400  }
0x7b: {  	[sflag:s11] =	ssyncset.done $0x0  }
0x7c: {  	[sflag:s11] =	ssyncadd.s32 $0xFFFFEC00  }
0x7d: {  	s12 =	smul.u32 $0x5, s9;
	_ =	swait.ge [sflag:s11], $0x1400  }
0x7e: {  	s13 =	simm.s32 $0x0;
	[sflag:s11] =	ssyncset.done $0x0  }
0x7f: {  	s12 =	sadd.s32 s6, s12;
	[sflag:s11] =	ssyncadd.s32 $0xFFFFEC00;
	s11 =	smul.u32 $0x1400, s10  }
.LBB2_3:
0x80: {  	s15 =	sadd.s32 s13, s12  }
0x81: {  	s15 =	sshll.u32 s15, $0x7  }
0x82: {  	s15 =	sand.u32 $0x780, s15  }
0x83: {  	s17 =	sor.u32 $0x7800, s15  }
0x84: {  	v1 =	vmov s17;
	_ =	sdelay $0x2  }
0x85: {  	s16 =	sshll.u32 s13, $0xA  }
0x86: {  	p0 =	por $0x1, $0x1;
	s15 =	sadd.s32 s11, s16;
	s16 =	simm.s32 $0x0  }
.LBB2_4:
0x87: {  	v5 =	vld.idx.msk [tilespmem:v1+s16+$0x0 ss:$0x1], $0xffff;
	s17 =	sor.u32 s15, s16  }
0x88: {  	v6 =	vld [tilespmem:s17+$0x0]  }
0x89: {  	v7 =	vld [tilespmem:s17+$0x2800]  }
0x8a: {  	v8 =	vld [tilespmem:s17+$0x5000]  }
0x8b: {  	v10 =	vld [tilespmem:s17+$0x2880]  }
0x8c: {  	v11 =	vld [tilespmem:s17+$0x5080]  }
0x8d: {  	v13 =	vld [tilespmem:s17+$0x2900]  }
0x8e: {  	v14 =	vld [tilespmem:s17+$0x5100]  }
0x8f: {  	v16 =	vld [tilespmem:s17+$0x2980]  }
0x90: {  	v17 =	vld [tilespmem:s17+$0x5180]  }
0x91: {  	v19 =	vld [tilespmem:s17+$0x2A00]  }
0x92: {  	v20 =	vld [tilespmem:s17+$0x5200]  }
0x93: {  	v22 =	vld [tilespmem:s17+$0x2A80]  }
0x94: {  	v23 =	vld [tilespmem:s17+$0x5280]  }
0x95: {  	v25 =	vld [tilespmem:s17+$0x2B00]  }
0x96: {  	v26 =	vld [tilespmem:s17+$0x5300]  }
0x97: {  	v28 =	vld [tilespmem:s17+$0x2B80]  }
0x98: {  	s18 =	sor.u32 $0x80, s17;
	v29 =	vld [tilespmem:s17+$0x5380]  }
0x99: {  	s19 =	sor.u32 $0x100, s17;
	v9 =	vld [tilespmem:s18+$0x0]  }
0x9a: {  	v12 =	vld [tilespmem:s19+$0x0];
	s19 =	sor.u32 $0x180, s17  }
0x9b: {  	s18 =	sor.u32 $0x10, s16;
	v15 =	vld [tilespmem:s19+$0x0]  }
0x9c: {  	s19 =	sor.u32 $0x200, s17;
	v4 =	vld.idx.msk [tilespmem:v1+s18+$0x0 ss:$0x1], $0xffff  }
0x9d: {  	s18 =	sor.u32 s15, s18;
	v18 =	vld [tilespmem:s19+$0x0]  }
0x9e: {  	v30 =	vld [tilespmem:s18+$0x0]  }
0x9f: {  	v31 =	vld [tilespmem:s18+$0x2800]  }
0xa0: {  	v32 =	vld [tilespmem:s18+$0x5000]  }
0xa1: {  	v34 =	vld [tilespmem:s18+$0x2880]  }
0xa2: {  	v35 =	vld [tilespmem:s18+$0x5080]  }
0xa3: {  	v57 =	vld [tilespmem:s18+$0x2A80]  }
0xa4: {  	v59 =	vld [tilespmem:s18+$0x5280]  }
0xa5: {  	v63 =	vld [tilespmem:s18+$0x2B00]  }
0xa6: {  	v36 =	vld [tilespmem:s18+$0x5300]  }
0xa7: {  	v40 =	vld [tilespmem:s18+$0x2B80]  }
0xa8: {  	s19 =	sor.u32 $0x280, s17;
	v41 =	vld [tilespmem:s18+$0x5380]  }
0xa9: {  	v21 =	vld [tilespmem:s19+$0x0];
	s19 =	sor.u32 $0x300, s17  }
0xaa: {  	v24 =	vld [tilespmem:s19+$0x0];
	s19 =	sor.u32 $0x380, s17  }
0xab: {  	s17 =	sor.u32 $0x80, s18;
	v27 =	vld [tilespmem:s19+$0x0]  }
0xac: {  	v7 =	vsub.f32 v7, v6;
	v33 =	vld [tilespmem:s17+$0x0];
	v10 =	vsub.f32 v10, v9  }
0xad: {  	v6 =	vsub.f32 v8, v6;
	v43 =	vsub.f32 v13, v12;
	v13 =	vld [tilespmem:s18+$0x2900]  }
0xae: {  	s19 =	sor.u32 $0x100, s18;
	v44 =	vsub.f32 v14, v12;
	v12 =	vld [tilespmem:s18+$0x5100];
	v7 =	vand.u32 $0x7FFFFFFF, v7;
	v10 =	vand.u32 $0x7FFFFFFF, v10  }
0xaf: {  	v9 =	vsub.f32 v11, v9;
	v8 =	vld [tilespmem:s19+$0x0];
	v7 =	vadd.f32 v10, v7  }
0xb0: {  	s19 =	sor.u32 $0x180, s18;
	v45 =	vsub.f32 v16, v15;
	v48 =	vsub.f32 v17, v15;
	v17 =	vld [tilespmem:s18+$0x5180];
	v11 =	vand.u32 $0x7FFFFFFF, v43  }
0xb1: {  	v16 =	vld [tilespmem:s19+$0x0];
	v7 =	vadd.f32 v11, v7  }
0xb2: {  	v49 =	vsub.f32 v19, v18;
	v52 =	vsub.f32 v20, v18;
	v18 =	vld [tilespmem:s18+$0x2A00];
	v47 =	vand.u32 $0x7FFFFFFF, v45  }
0xb3: {  	v6 =	vand.u32 $0x7FFFFFFF, v6;
	v9 =	vand.u32 $0x7FFFFFFF, v9;
	s19 =	sor.u32 $0x200, s18;
	v10 =	vld [tilespmem:s18+$0x2980];
	v7 =	vadd.f32 v47, v7  }
0xb4: {  	v6 =	vadd.f32 v9, v6;
	v9 =	vld [tilespmem:s19+$0x0];
	s19 =	sor.u32 $0x280, s18;
	v54 =	vsub.f32 v22, v21;
	v51 =	vand.u32 $0x7FFFFFFF, v49  }
0xb5: {  	v20 =	vld [tilespmem:s19+$0x0];
	v7 =	vadd.f32 v51, v7  }
0xb6: {  	s19 =	sor.u32 $0x300, s18;
	v11 =	vld [tilespmem:s18+$0x5200];
	v15 =	vand.u32 $0x7FFFFFFF, v54  }
0xb7: {  	s17 =	sor.u32 $0x20, s16;
	v7 =	vadd.f32 v15, v7;
	v15 =	vld [tilespmem:s19+$0x0];
	s19 =	sor.u32 $0x380, s18  }
0xb8: {  	s18 =	sor.u32 s15, s17;
	v39 =	vld [tilespmem:s19+$0x0]  }
0xb9: {  	v46 =	vand.u32 $0x7FFFFFFF, v44;
	v43 =	vsub.f32 v31, v30;
	v44 =	vsub.f32 v32, v30;
	v42 =	vld [tilespmem:s18+$0x2800]  }
0xba: {  	v50 =	vand.u32 $0x7FFFFFFF, v48;
	v55 =	vsub.f32 v23, v21;
	v6 =	vadd.f32 v46, v6;
	v48 =	vld [tilespmem:s18+$0x2880]  }
0xbb: {  	v53 =	vand.u32 $0x7FFFFFFF, v52;
	v56 =	vsub.f32 v25, v24;
	v58 =	vsub.f32 v26, v24;
	v49 =	vld [tilespmem:s18+$0x5080]  }
0xbc: {  	v19 =	vand.u32 $0x7FFFFFFF, v55;
	v61 =	vsub.f32 v28, v27;
	v6 =	vadd.f32 v50, v6;
	v51 =	vld [tilespmem:s18+$0x2900]  }
0xbd: {  	v62 =	vsub.f32 v29, v27;
	v46 =	vsub.f32 v34, v33;
	v27 =	vand.u32 $0x7FFFFFFF, v44;
	v52 =	vld [tilespmem:s18+$0x5100]  }
0xbe: {  	v14 =	vand.u32 $0x7FFFFFFF, v56;
	v47 =	vsub.f32 v35, v33;
	v6 =	vadd.f32 v53, v6;
	v53 =	vld [tilespmem:s18+$0x2980]  }
0xbf: {  	v60 =	vand.u32 $0x7FFFFFFF, v58;
	v13 =	vsub.f32 v13, v8;
	v8 =	vsub.f32 v12, v8;
	v54 =	vld [tilespmem:s18+$0x5180]  }
0xc0: {  	v10 =	vsub.f32 v10, v16;
	v30 =	vand.u32 $0x7FFFFFFF, v47;
	v58 =	vsub.f32 v59, v20;
	v59 =	vld [tilespmem:s18+$0x2A00]  }
0xc1: {  	v37 =	vand.u32 $0x7FFFFFFF, v61;
	v16 =	vsub.f32 v17, v16;
	v27 =	vadd.f32 v30, v27;
	v61 =	vld [tilespmem:s18+$0x5200]  }
0xc2: {  	v8 =	vand.u32 $0x7FFFFFFF, v8;
	v18 =	vsub.f32 v18, v9;
	v6 =	vadd.f32 v19, v6;
	v33 =	vld [tilespmem:s18+$0x2A80]  }
0xc3: {  	v29 =	vand.u32 $0x7FFFFFFF, v46;
	v8 =	vadd.f32 v8, v27;
	v34 =	vld [tilespmem:s18+$0x5280];
	v7 =	vadd.f32 v14, v7  }
0xc4: {  	v16 =	vand.u32 $0x7FFFFFFF, v16;
	v9 =	vsub.f32 v11, v9;
	s19 =	sor.u32 $0x80, s18;
	v46 =	vld [tilespmem:s18+$0x2B80];
	v6 =	vadd.f32 v60, v6  }
0xc5: {  	v38 =	vand.u32 $0x7FFFFFFF, v62;
	v45 =	vld [tilespmem:s19+$0x0];
	s19 =	sor.u32 $0x100, s18;
	v8 =	vadd.f32 v16, v8;
	v7 =	vadd.f32 v37, v7  }
0xc6: {  	v13 =	vand.u32 $0x7FFFFFFF, v13;
	v9 =	vand.u32 $0x7FFFFFFF, v9;
	v50 =	vld [tilespmem:s19+$0x0];
	v6 =	vadd.f32 v38, v6  }
0xc7: {  	v56 =	vsub.f32 v57, v20;
	v37 =	vld [tilespmem:s18+$0x2B00];
	v8 =	vadd.f32 v9, v8;
	v7 =	vmul.f32 v7, v5  }
0xc8: {  	v14 =	vsub.f32 v36, v15;
	v5 =	vmul.f32 v6, v5;
	v6 =	vld [tilespmem:s18+$0x0];
	v30 =	vsub.f32 v40, v39  }
0xc9: {  	v35 =	vsub.f32 v41, v39;
	v41 =	vld [tilespmem:s18+$0x5300];
	v3 =	vadd.f32 v7, v3;
	v7 =	vand.u32 $0x7FFFFFFF, v43  }
0xca: {  	v10 =	vand.u32 $0x7FFFFFFF, v10;
	v2 =	vadd.f32 v5, v2;
	v5 =	vld [tilespmem:s18+$0x5000];
	v7 =	vadd.f32 v29, v7  }
0xcb: {  	v55 =	vand.u32 $0x7FFFFFFF, v18;
	s19 =	sor.u32 $0x180, s18;
	v40 =	vsub.f32 v48, v45;
	v45 =	vsub.f32 v49, v45;
	v49 =	vld [tilespmem:s18+$0x5380]  }
0xcc: {  	v62 =	vand.u32 $0x7FFFFFFF, v58;
	v60 =	vsub.f32 v63, v15;
	v7 =	vadd.f32 v13, v7;
	v13 =	vld [tilespmem:s19+$0x0];
	s19 =	sor.u32 $0x200, s18  }
0xcd: {  	v8 =	vadd.f32 v62, v8;
	v14 =	vand.u32 $0x7FFFFFFF, v14;
	v48 =	vsub.f32 v51, v50;
	v57 =	vld [tilespmem:s19+$0x0];
	s19 =	sor.u32 $0x280, s18  }
0xce: {  	v38 =	vand.u32 $0x7FFFFFFF, v35;
	v12 =	vsub.f32 v52, v50;
	v39 =	vsub.f32 v42, v6;
	v63 =	vld [tilespmem:s19+$0x0];
	s19 =	sor.u32 $0x300, s18  }
0xcf: {  	s16 =	sor.u32 $0x30, s16;
	v8 =	vadd.f32 v14, v8;
	v44 =	vand.u32 $0x7FFFFFFF, v40;
	v5 =	vsub.f32 v5, v6;
	v36 =	vld [tilespmem:s19+$0x0];
	s19 =	sor.u32 $0x380, s18  }
0xd0: {  	v22 =	vand.u32 $0x7FFFFFFF, v45;
	v7 =	vadd.f32 v10, v7;
	v43 =	vand.u32 $0x7FFFFFFF, v39;
	s18 =	sor.u32 s15, s16;
	v42 =	vld [tilespmem:s19+$0x0]  }
0xd1: {  	v8 =	vadd.f32 v38, v8;
	v47 =	vadd.f32 v44, v43;
	v5 =	vand.u32 $0x7FFFFFFF, v5;
	v50 =	vld [tilespmem:s18+$0x0]  }
0xd2: {  	v11 =	vand.u32 $0x7FFFFFFF, v56;
	v7 =	vadd.f32 v55, v7;
	v52 =	vld [tilespmem:s18+$0x2800];
	v5 =	vadd.f32 v22, v5  }
0xd3: {  	v25 =	vand.u32 $0x7FFFFFFF, v60;
	v58 =	vld [tilespmem:s18+$0x2880];
	v51 =	vsub.f32 v53, v13;
	v10 =	vsub.f32 v54, v13  }
0xd4: {  	v12 =	vand.u32 $0x7FFFFFFF, v12;
	v28 =	vld [tilespmem:s18+$0x2900];
	v7 =	vadd.f32 v11, v7;
	v55 =	vsub.f32 v59, v57  }
0xd5: {  	v15 =	vand.u32 $0x7FFFFFFF, v30;
	v30 =	vld [tilespmem:s18+$0x5100];
	v57 =	vsub.f32 v61, v57;
	v5 =	vadd.f32 v12, v5  }
0xd6: {  	s19 =	sor.u32 $0x80, s18;
	v53 =	vld [tilespmem:s18+$0x5000];
	v54 =	vand.u32 $0x7FFFFFFF, v51;
	v10 =	vand.u32 $0x7FFFFFFF, v10;
	v60 =	vsub.f32 v33, v63  }
0xd7: {  	v56 =	vld [tilespmem:s19+$0x0];
	v9 =	vsub.f32 v34, v63;
	v7 =	vadd.f32 v25, v7;
	v59 =	vand.u32 $0x7FFFFFFF, v55  }
0xd8: {  	s19 =	sor.u32 $0x100, s18;
	v61 =	vld [tilespmem:s18+$0x5080];
	v62 =	vand.u32 $0x7FFFFFFF, v57;
	v27 =	vsub.f32 v37, v36;
	v29 =	vsub.f32 v41, v36  }
0xd9: {  	v63 =	vld [tilespmem:s19+$0x0];
	v5 =	vadd.f32 v10, v5;
	v23 =	vand.u32 $0x7FFFFFFF, v60;
	v32 =	vsub.f32 v46, v42  }
0xda: {  	v35 =	vld [tilespmem:s18+$0x2980];
	s19 =	sor.u32 $0x180, s18;
	v9 =	vand.u32 $0x7FFFFFFF, v9;
	v6 =	vsub.f32 v49, v42;
	v38 =	vsub.f32 v52, v50  }
0xdb: {  	v33 =	vld [tilespmem:s19+$0x0];
	v7 =	vadd.f32 v15, v7;
	v15 =	vand.u32 $0x7FFFFFFF, v48;
	v31 =	vand.u32 $0x7FFFFFFF, v27  }
0xdc: {  	v40 =	vld [tilespmem:s18+$0x2A00];
	v34 =	vand.u32 $0x7FFFFFFF, v29;
	v39 =	vsub.f32 v53, v50;
	v41 =	vsub.f32 v58, v56  }
0xdd: {  	v43 =	vld [tilespmem:s18+$0x5200];
	v5 =	vadd.f32 v62, v5;
	v42 =	vsub.f32 v61, v56;
	v7 =	vmul.f32 v7, v4  }
0xde: {  	v36 =	vld [tilespmem:s18+$0x5180];
	s19 =	sor.u32 $0x200, s18;
	v4 =	vmul.f32 v8, v4;
	v8 =	vadd.f32 v15, v47;
	v14 =	vsub.f32 v28, v63  }
0xdf: {  	v37 =	vld [tilespmem:s19+$0x0];
	s19 =	sor.u32 $0x280, s18;
	v6 =	vand.u32 $0x7FFFFFFF, v6;
	v11 =	vsub.f32 v30, v63;
	v5 =	vadd.f32 v9, v5  }
0xe0: {  	v46 =	vld [tilespmem:s19+$0x0];
	v45 =	vand.u32 $0x7FFFFFFF, v39;
	v9 =	vsub.f32 v35, v33;
	v8 =	vadd.f32 v54, v8  }
0xe1: {  	v50 =	vld [tilespmem:s18+$0x5280];
	v17 =	vand.u32 $0x7FFFFFFF, v42;
	v3 =	vadd.f32 v7, v3;
	v2 =	vadd.f32 v4, v2  }
0xe2: {  	v51 =	vld [tilespmem:s18+$0x2B00];
	v44 =	vand.u32 $0x7FFFFFFF, v38;
	v10 =	vadd.f32 v17, v45;
	v8 =	vadd.f32 v59, v8  }
0xe3: {  	v55 =	vld [tilespmem:s18+$0x2B80];
	s19 =	sor.u32 $0x300, s18;
	v16 =	vand.u32 $0x7FFFFFFF, v41;
	v7 =	vsub.f32 v36, v33;
	v4 =	vadd.f32 v34, v5  }
0xe4: {  	v48 =	vld [tilespmem:s19+$0x0];
	v14 =	vand.u32 $0x7FFFFFFF, v14;
	v13 =	vsub.f32 v40, v37;
	v8 =	vadd.f32 v23, v8  }
0xe5: {  	v47 =	vld [tilespmem:s18+$0x2A80];
	v11 =	vand.u32 $0x7FFFFFFF, v11;
	v4 =	vadd.f32 v6, v4;
	v6 =	vadd.f32 v16, v44  }
0xe6: {  	v52 =	vld [tilespmem:s18+$0x5300];
	s19 =	sor.u32 $0x380, s18;
	v5 =	vand.u32 $0x7FFFFFFF, v32;
	v57 =	vsub.f32 v50, v46;
	v8 =	vadd.f32 v31, v8  }
0xe7: {  	v49 =	vld [tilespmem:s19+$0x0];
	v9 =	vand.u32 $0x7FFFFFFF, v9;
	v10 =	vadd.f32 v11, v10;
	v6 =	vadd.f32 v14, v6  }
0xe8: {  	v7 =	vand.u32 $0x7FFFFFFF, v7;
	v5 =	vadd.f32 v5, v8;
	v8 =	vsub.f32 v43, v37  }
0xe9: {  	v56 =	vld [tilespmem:s18+$0x5380];
	v53 =	vand.u32 $0x7FFFFFFF, v13;
	v7 =	vadd.f32 v7, v10;
	v6 =	vadd.f32 v9, v6  }
0xea: {  	v60 =	vsub.f32 v51, v48;
	v54 =	vsub.f32 v47, v46;
	v8 =	vand.u32 $0x7FFFFFFF, v8  }
0xeb: {  	v59 =	vld.idx.msk [tilespmem:v1+s17+$0x0 ss:$0x1], $0xffff;
	v11 =	vand.u32 $0x7FFFFFFF, v57;
	v6 =	vadd.f32 v53, v6;
	v7 =	vadd.f32 v8, v7  }
0xec: {  	v61 =	vsub.f32 v55, v49;
	v58 =	vand.u32 $0x7FFFFFFF, v54;
	v9 =	vsub.f32 v52, v48  }
0xed: {  	v6 =	vadd.f32 v58, v6;
	v7 =	vadd.f32 v11, v7  }
0xee: {  	v62 =	vld.idx.msk [tilespmem:v1+s16+$0x0 ss:$0x1], $0xffff;
	v10 =	vsub.f32 v56, v49;
	v12 =	vand.u32 $0x7FFFFFFF, v60;
	v9 =	vand.u32 $0x7FFFFFFF, v9  }
0xef: {  	v6 =	vadd.f32 v12, v6;
	v7 =	vadd.f32 v9, v7  }
0xf0: {  	p1 =	por p0, p0;
	v63 =	vand.u32 $0x7FFFFFFF, v61;
	v10 =	vand.u32 $0x7FFFFFFF, v10;
	v4 =	vmul.f32 v4, v59  }
.Ltmp0:
0xf1: {  	v5 =	vmul.f32 v5, v59;
	v6 =	vadd.f32 v63, v6;
	v7 =	vadd.f32 v10, v7;
	(pc) =	sbr.rel @p1 .LBB2_4-.Ltmp0, $3  }
0xf2: {  	v2 =	vadd.f32 v4, v2  }
0xf3: {  	v3 =	vadd.f32 v5, v3;
	v4 =	vmul.f32 v6, v62;
	v5 =	vmul.f32 v7, v62;
	_ =	sdelay $0x1  }
0xf4: {  	p0 =	por $0x0, $0x0;
	s16 =	simm.s32 $0x40;
	v3 =	vadd.f32 v4, v3;
	v2 =	vadd.f32 v5, v2  }
0xf5: {  	s13 =	sadd.s32 $0x1, s13  }
0xf6: {  	p0 =	sne.s32 s13, $0x5  }
.Ltmp1:
0xf7: {  	_ = 	snop;
	(pc) =	sbr.rel @p0 .LBB2_3-.Ltmp1, $1  }
0xf8: {  	_ =	sdelay $0x3  }
0xf9: {  	p0 =	sgt.u32 s9, $0x5  }
0xfa: {  	s11 =	smul.u32 @!p0 $0x1400, s9;
	_ =	sdelay $0x1  }
0xfb: {  	p1 =	sne.s32 @!p0 s10, $0x0;
	s10 =	sadd.s32 @!p0 s11, s14  }
0xfc: {  	p2 =	por !p1, p0;
	s10 =	sshrl.u32 @!p0 s10, $0x3  }
0xfd: {  	s12 =	simm.s32 @!p2 $0x0;
	s13 =	simm.s32 @!p2 $0x1400;
	s11 =	sadd.s32 @!p0 s1, s10  }
0xfe: {  	[tilespmem:s13], [sflag:$0x2] =	stream.linear.gather @!p2 [hbm4b:s11+s12], $0x1400, $0x38;
	[tilespmem:$0x8080] =	vst v63  }
0xff: {  	s15 =	simm.s32 @!p2 $0x3C00;
	s13 =	sadd.s32 @!p0 s2, s10  }
0x100: {  	[tilespmem:s15], [sflag:$0x2] =	stream.linear.gather @!p2 [hbm4b:s13+s12], $0x1400, $0x38;
	[tilespmem:$0x8080] =	vst v63  }
0x101: {  	s10 =	sadd.s32 @!p0 s4, s10;
	p0 =	por p1, p0;
	s15 =	simm.s32 @!p2 $0x6400  }
0x102: {  	[tilespmem:s15], [sflag:$0x2] =	stream.linear.gather @!p2 [hbm4b:s10+s12], $0x1400, $0x38;
	[tilespmem:$0x8080] =	vst v63  }
0x103: {  	s12 =	simm.s32 @!p0 $0x0  }
0x104: {  	[tilespmem:s12], [sflag:$0x1] =	stream.linear.gather @!p0 [hbm4b:s11+s12], $0x1400, $0x38;
	[tilespmem:$0x8080] =	vst v63  }
0x105: {  	s11 =	simm.s32 @!p0 $0x2800  }
0x106: {  	[tilespmem:s11], [sflag:$0x1] =	stream.linear.gather @!p0 [hbm4b:s13+s12], $0x1400, $0x38;
	[tilespmem:$0x8080] =	vst v63  }
0x107: {  	s9 =	sadd.s32 $0x1, s9;
	s11 =	simm.s32 @!p0 $0x5000  }
0x108: {  	[tilespmem:s11], [sflag:$0x1] =	stream.linear.gather @!p0 [hbm4b:s10+s12], $0x1400, $0x38;
	[tilespmem:$0x8080] =	vst v63  }
0x109: {  	p0 =	sne.s32 s9, $0x8  }
.Ltmp2:
0x10a: {  	_ = 	snop;
	(pc) =	sbr.rel @p0 .LBB2_2-.Ltmp2, $1  }
0x10b: {  	_ =	sdelay $0x3  }
0x10c: {  	[tilespmem:$0x8000] =	vst v3  }
0x10d: {  	[tilespmem:$0x8010] =	vst v2  }
0x10e: {  	[tilespmem:$0x8020] =	vst v0  }
0x10f: {  	[tilespmem:$0x8030] =	vst v0;
	s9 =	rddreg [dreg:$0xc];
	s10 =	simm.s32 $0x8000  }
0x110: {  	[hbm4b:s9+s5] =	stream.linear.scatter [tilespmem:s10], [sflag:$0x4], $0x40, $0x38;
	[tilespmem:$0x8080] =	vst v63  }
0x111: {  	_ =	swait.ge [sflag:s7], $0x40  }
0x112: {  	s8 =	sadd.s32 $0x1, s8;
	s19 =	rddreg [dreg:$0xd]  }
0x113: {  	p0 =	sne.s32 s8, s19  }
.Ltmp3:
0x114: {  	_ = 	snop;
	(pc) =	sbr.rel @p0 .LBB2_1-.Ltmp3, $3  }
0x115: {  	_ =	sdelay $0x1  }
0x116: {  	[sflag:s7] =	ssyncset.done $0x0  }
0x117: {  	[sflag:s7] =	ssyncadd.s32 $0xFFFFFFC0  }
0x118: {  	_ =	sfence.sel $0x180000  }
0x119: {  	[bflag:$0x0] =	sbarrier.arrive $0xFFFF  }
0x11a: {  	_ =	strace $0x90000047  }
0x11b: {  	s0 =	stileid.u32;
	[bflag:$0x2] =	sbarrier.arrive $0xFFFF  }
0x11c: {  	p0 =	sne.s32 s0, $0x0;
	s0 =	rddreg [dreg:$0x4]  }
0x11d: {  	s0 =	sadd.s32 @!p0 $0x100000, s0  }
0x11e: {  	[sflag:s0] =	ssyncadd.tile.s32 @!p0 $0x1;
	_ =	shalt  }
.Lfunc_end2:
_tile_overlayer_lowered:
.L_overlay_start_2:
0x11f: {  	(tag) =	ssettag $0x2  }
0x120: {  	s0 =	rddreg [dreg:$0x0];
	s2 =	stileid.u32  }
0x121: {  	s1 =	rddreg [dreg:$0x1];
	p0 =	sne.s32 s2, $0x0  }
0x122: {  	s3 =	rddreg [dreg:$0x2];
	[bflag:$0x3] =	sbarrier.arrive $0xFFFF;
	s2 =	simm.s32 @!p0 $0x1C04  }
0x123: {  	[timem:s3], [sflag:s2] =	dma.local @!p0 [hbm:s0], s1  }
0x124: {  	s0 =	simm.s32 @!p0 $0x4  }
0x125: {  	_ =	swait.ge @!p0 [sflag:s0], s1  }
0x126: {  	s1 =	ssub.s32 @!p0 $0x0, s1;
	[sflag:s0] =	ssyncset.done @!p0 $0x0  }
0x127: {  	[sflag:s0] =	ssyncadd.s32 @!p0 s1  }
0x128: {  	[bflag:$0x3] =	sbarrier.arrive $0xFFFF  }
0x129: {  	_ =	shalt  }

</sc_bundles>
